<compile_context>
chip_gen: v7x
topology: tpu7x:2x2x1
jax: 0.10.2.dev20260603
libtpu: 0.0.44.dev20260713+nightly
codegen_flags: <defaults>
</compile_context>

<pallas_src>
import jax
import jax.numpy as jnp
from jax import lax
from jax.experimental import pallas as pl
from jax.experimental.pallas import tpu as pltpu
from jax.experimental.pallas import tpu_sc as plsc

N = 10000
E = 320000
CIN = 128
HID = 256
COUT = 128
HEADS = 4

NC = 2
NS = 16
NW = NC * NS
LANES = 128
K = 79
EPT = K * LANES
EPAD = EPT * NW
NPAD = 10240
RPT = NPAD // NS
BLK = 512
GRID = NPAD // BLK


def _deg_body(dst_hbm, ones_hbm, zeros_hbm, out_hbm, didx_v, ones_v, acc):
    c = lax.axis_index("c")
    s = lax.axis_index("s")
    wid = s * NC + c
    base = s * RPT
    pltpu.sync_copy(zeros_hbm.at[pl.ds(base, RPT)], acc.at[pl.ds(base, RPT)])
    pltpu.sync_copy(dst_hbm.at[wid], didx_v)
    pltpu.sync_copy(ones_hbm, ones_v)
    plsc.subcore_barrier()

    def fire(k, carry):
        pltpu.sync_copy(ones_v, acc.at[didx_v.at[k]], add=True)
        return carry

    lax.fori_loop(0, K, fire, 0)
    plsc.subcore_barrier()
    pltpu.sync_copy(acc.at[pl.ds(base, RPT)], out_hbm.at[c, pl.ds(base, RPT)])


def _sc_degree(dst_idx, ones128, zeros128):
    mesh = plsc.VectorSubcoreMesh(core_axis_name="c", subcore_axis_name="s")
    f = pl.kernel(
        _deg_body,
        out_type=jax.ShapeDtypeStruct((NC, NPAD, 128), jnp.float32),
        mesh=mesh,
        scratch_types=[
            pltpu.VMEM((K, LANES), jnp.int32),
            pltpu.VMEM((LANES, 128), jnp.float32),
            pltpu.VMEM_SHARED((NPAD, 128), jnp.float32),
        ],
    )
    return f(dst_idx, ones128, zeros128)


def _make_prop_body(num_tables):
    def body(*refs):
        tables = refs[:num_tables]
        src_hbm, dst_hbm, zeros_hbm, out_hbm = refs[num_tables:num_tables + 4]
        sidx_v, didx_v, buf, acc, sem = refs[num_tables + 4:]
        c = lax.axis_index("c")
        s = lax.axis_index("s")
        wid = s * NC + c
        base = s * RPT
        pltpu.sync_copy(src_hbm.at[wid], sidx_v)
        pltpu.sync_copy(dst_hbm.at[wid], didx_v)
        for h in range(num_tables):
            table = tables[h]
            pltpu.sync_copy(zeros_hbm.at[pl.ds(base, RPT)],
                            acc.at[pl.ds(base, RPT)])
            plsc.subcore_barrier()

            def step(k, carry, table=table):
                pltpu.async_copy(table.at[sidx_v.at[k]], buf, sem).wait()
                pltpu.sync_copy(buf, acc.at[didx_v.at[k]], add=True)
                return carry

            lax.fori_loop(0, K, step, 0)
            plsc.subcore_barrier()
            pltpu.sync_copy(acc.at[pl.ds(base, RPT)],
                            out_hbm.at[c, h, pl.ds(base, RPT)])

    return body


def _sc_propagate(tables, src_idx, dst_idx, zeros128):
    num = len(tables)
    mesh = plsc.VectorSubcoreMesh(core_axis_name="c", subcore_axis_name="s")
    f = pl.kernel(
        _make_prop_body(num),
        out_type=jax.ShapeDtypeStruct((NC, num, NPAD, 128), jnp.float32),
        mesh=mesh,
        scratch_types=[
            pltpu.VMEM((K, LANES), jnp.int32),
            pltpu.VMEM((K, LANES), jnp.int32),
            pltpu.VMEM((LANES, 128), jnp.float32),
            pltpu.VMEM_SHARED((NPAD, 128), jnp.float32),
            pltpu.SemaphoreType.DMA,
        ],
    )
    return f(*tables, src_idx, dst_idx, zeros128)


def _tc1_body(degp_ref, x_ref, xs_ref, dinvb_ref):
    deg = degp_ref[0, :, 0:1] + degp_ref[1, :, 0:1] + 1.0
    dinv = lax.rsqrt(deg)
    xs_ref[...] = x_ref[...] * dinv
    dinvb_ref[...] = jnp.broadcast_to(dinv, (BLK, 128))


def _tc_scale(degp, x_pad):
    return pl.pallas_call(
        _tc1_body,
        grid=(GRID,),
        in_specs=[
            pl.BlockSpec((NC, BLK, 128), lambda i: (0, i, 0)),
            pl.BlockSpec((BLK, 128), lambda i: (i, 0)),
        ],
        out_specs=[
            pl.BlockSpec((BLK, 128), lambda i: (i, 0)),
            pl.BlockSpec((BLK, 128), lambda i: (i, 0)),
        ],
        out_shape=[
            jax.ShapeDtypeStruct((NPAD, 128), jnp.float32),
            jax.ShapeDtypeStruct((NPAD, 128), jnp.float32),
        ],
    )(degp, x_pad)


def _tc2_body(p_ref, xs_ref, dinvb_ref, w1_ref, b1_ref, w2_ref, ys_ref):
    dinv = dinvb_ref[...]
    z = (p_ref[0] + p_ref[1] + xs_ref[...]) * dinv
    hh = lax.dot_general(z, w1_ref[0], (((1,), (0,)), ((), ())),
                         precision=lax.Precision.HIGHEST,
                         preferred_element_type=jnp.float32)
    hh = jnp.maximum(hh + b1_ref[0], 0.0)
    y = lax.dot_general(hh, w2_ref[0], (((1,), (0,)), ((), ())),
                        precision=lax.Precision.HIGHEST,
                        preferred_element_type=jnp.float32)
    ys_ref[0] = y * dinv


def _tc_heads(p1, xs, dinvb, W1, b1, W2):
    return pl.pallas_call(
        _tc2_body,
        grid=(HEADS, GRID),
        in_specs=[
            pl.BlockSpec((NC, BLK, 128), lambda h, i: (0, i, 0)),
            pl.BlockSpec((BLK, 128), lambda h, i: (i, 0)),
            pl.BlockSpec((BLK, 128), lambda h, i: (i, 0)),
            pl.BlockSpec((1, CIN, HID), lambda h, i: (h, 0, 0)),
            pl.BlockSpec((1, 1, HID), lambda h, i: (h, 0, 0)),
            pl.BlockSpec((1, HID, COUT), lambda h, i: (h, 0, 0)),
        ],
        out_specs=pl.BlockSpec((1, BLK, 128), lambda h, i: (h, i, 0)),
        out_shape=jax.ShapeDtypeStruct((HEADS, NPAD, 128), jnp.float32),
    )(p1, xs, dinvb, W1, b1, W2)


def _tc3_body(p2_ref, ys_ref, dinvb_ref, b2_ref, out_ref):
    o = (p2_ref[0, 0] + p2_ref[1, 0] + ys_ref[0]) * dinvb_ref[...]
    out_ref[0] = o + b2_ref[0]


def _tc_combine(p2, ys, dinvb, b2):
    return pl.pallas_call(
        _tc3_body,
        grid=(HEADS, GRID),
        in_specs=[
            pl.BlockSpec((NC, 1, BLK, 128), lambda h, i: (0, h, i, 0)),
            pl.BlockSpec((1, BLK, 128), lambda h, i: (h, i, 0)),
            pl.BlockSpec((BLK, 128), lambda h, i: (i, 0)),
            pl.BlockSpec((1, 1, 128), lambda h, i: (h, 0, 0)),
        ],
        out_specs=pl.BlockSpec((1, BLK, 128), lambda h, i: (h, i, 0)),
        out_shape=jax.ShapeDtypeStruct((HEADS, NPAD, 128), jnp.float32),
    )(p2, ys, dinvb, b2)


def kernel(x, edge_index, W1, b1, W2, b2):
    src = edge_index[0].astype(jnp.int32)
    dst = edge_index[1].astype(jnp.int32)
    pad = EPAD - E
    src_p = jnp.concatenate([src, jnp.zeros((pad,), jnp.int32)])
    dst_p = jnp.concatenate([dst, jnp.full((pad,), N, jnp.int32)])
    src_p = src_p.reshape(NW, K, LANES)
    dst_p = dst_p.reshape(NW, K, LANES)
    x_pad = jnp.pad(x, ((0, NPAD - N), (0, 0)))
    zeros128 = jnp.zeros((NPAD, 128), jnp.float32)
    ones128 = jnp.ones((LANES, 128), jnp.float32)

    degp = _sc_degree(dst_p, ones128, zeros128)
    xs, dinvb = _tc_scale(degp, x_pad)
    p1 = _sc_propagate([xs], src_p, dst_p, zeros128)
    ys = _tc_heads(p1[:, 0], xs, dinvb, W1,
                   b1.reshape(HEADS, 1, HID), W2)
    p2 = _sc_propagate([ys[h] for h in range(HEADS)],
                       src_p, dst_p, zeros128)
    out = _tc_combine(p2, ys, dinvb,
                      b2.reshape(HEADS, 1, COUT))
    return out[:, :N, :]

# --- scband reference (transcript-rebuilt; emitter-appended) ---
"""Pipeline reference for scband-multi-head-gnn-47519518163060 (READ-ONLY COPY).

The authoritative reference and input builder live on the scoring server;
editing this copy changes nothing except your own understanding.
"""

import jax, jax.numpy as jnp
import numpy as np

N = 10000
E = 320000
IN_C = 128
HID_C = 256
OUT_C = 128
HEADS = 4


def setup_inputs(seed: int = 0) -> dict:
    key = jax.random.key(seed)
    ks = jax.random.split(key, 6)
    x = jax.random.normal(ks[0], (N, IN_C), dtype=jnp.float32)
    edge_index = jax.random.randint(ks[1], (2, E), 0, N)
    W1 = jax.random.normal(ks[2], (HEADS, IN_C, HID_C), dtype=jnp.float32) * 0.05
    b1 = jnp.zeros((HEADS, HID_C), dtype=jnp.float32)
    W2 = jax.random.normal(ks[3], (HEADS, HID_C, OUT_C), dtype=jnp.float32) * 0.05
    b2 = jnp.zeros((HEADS, OUT_C), dtype=jnp.float32)
    return {"x": x, "edge_index": edge_index, "W1": W1, "b1": b1, "W2": W2, "b2": b2}


def _gcn_conv(x, W, b, src, dst, norm):
    # GCNConv: out = D^{-1/2} (A + I) D^{-1/2} X W + b
    h = x @ W
    msg = jnp.take(h, src, axis=0) * norm[:, None]
    agg = jnp.zeros((N, h.shape[1]), dtype=h.dtype).at[dst].add(msg)
    return agg + b


def reference(x, edge_index, W1, b1, W2, b2):
    src = edge_index[0]
    dst = edge_index[1]
    loops = jnp.arange(N, dtype=src.dtype)
    src = jnp.concatenate([src, loops])
    dst = jnp.concatenate([dst, loops])
    # symmetric normalization with self-loops (PyG GCNConv default)
    deg = jnp.zeros((N,), dtype=jnp.float32).at[dst].add(1.0)
    dinv = jax.lax.rsqrt(deg)
    norm = dinv[src] * dinv[dst]
    outs = []
    for i in range(HEADS):
        h = _gcn_conv(x, W1[i], b1[i], src, dst, norm)
        h = jax.nn.relu(h)
        o = _gcn_conv(h, W2[i], b2[i], src, dst, norm)
        outs.append(o)
    return jnp.stack(outs)  # [HEADS, N, OUT_C]

if __name__ == "__main__":
    import jax
    _d = setup_inputs()
    print(jax.jit(kernel)(*tuple(_d.values())))

</pallas_src>

<mosaic_0001>
#map = affine_map<(d0, d1) -> (0, 0)>
#map1 = affine_map<(d0, d1) -> (0, 0, 0)>
#map2 = affine_map<(d0, d1) -> (0, 0, 0, 0)>
module attributes {stable_mosaic.version = 14 : i64} {
  func.func @body(%arg0: i32, %arg1: i32, %arg2: memref<10240x128xf32, #tpu.memory_space<hbm>>, %arg3: memref<32x79x128xi32, #tpu.memory_space<hbm>>, %arg4: memref<32x79x128xi32, #tpu.memory_space<hbm>>, %arg5: memref<10240x128xf32, #tpu.memory_space<hbm>>, %arg6: memref<2x1x10240x128xf32, #tpu.memory_space<hbm>>, %arg7: memref<79x128xi32, #tpu.memory_space<vmem>>, %arg8: memref<79x128xi32, #tpu.memory_space<vmem>>, %arg9: memref<128x128xf32, #tpu.memory_space<vmem>>, %arg10: memref<10240x128xf32, #tpu.memory_space<vmem_shared>>, %arg11: memref<!tpu.dma_semaphore, #tpu.memory_space<semaphore_mem>>) attributes {dimension_semantics = [#tpu.dimension_semantics<core_parallel>, #tpu.dimension_semantics<subcore_parallel>], iteration_bounds = array<i64: 2, 16>, scalar_prefetch = 0 : i64, scratch_operands = 5 : i64, tpu.core_type = #tpu.core_type<sc_vector_subcore>, window_params = [{transform_indices = #map}, {transform_indices = #map1}, {transform_indices = #map1}, {transform_indices = #map}, {transform_indices = #map2}]} {
    %mul3A = arith.constant 2 : i32
    %mul3A_0 = arith.muli %arg1, %mul3A : i32
    %add3A = arith.addi %mul3A_0, %arg0 : i32
    %mul3A_1 = arith.constant 640 : i32
    %mul3A_2 = arith.muli %arg1, %mul3A_1 : i32
    "tpu.region"() ({
      %run_scoped3A_9 = tpu.sem_alloc : memref<!tpu.dma_semaphore, #tpu.memory_space<semaphore_mem>>
      %dma_start3A = arith.constant 0 : i32
      %dma_start3A_10 = arith.constant 0 : i32
      %dma_start3A_11 = tpu.memref_slice %arg3[%add3A, %dma_start3A, %dma_start3A_10] : memref<32x79x128xi32, #tpu.memory_space<hbm>> -> memref<1x79x128xi32, #tpu.memory_space<hbm>>
      %dma_start3A_12 = tpu.memref_squeeze %dma_start3A_11 : memref<1x79x128xi32, #tpu.memory_space<hbm>> -> memref<79x128xi32, #tpu.memory_space<hbm>>
      %dma_start3A_13 = arith.constant 0 : i32
      %dma_start3A_14 = arith.constant 0 : i32
      %dma_start3A_15 = tpu.memref_slice %arg3[%add3A, %dma_start3A_13, %dma_start3A_14] : memref<32x79x128xi32, #tpu.memory_space<hbm>> -> memref<1x79x128xi32, #tpu.memory_space<hbm>>
      %dma_start3A_16 = tpu.memref_squeeze %dma_start3A_15 : memref<1x79x128xi32, #tpu.memory_space<hbm>> -> memref<79x128xi32, #tpu.memory_space<hbm>>
      tpu.enqueue_dma source(%dma_start3A_16 : memref<79x128xi32, #tpu.memory_space<hbm>>) target(%arg7 : memref<79x128xi32, #tpu.memory_space<vmem>>) target_semaphore(%run_scoped3A_9 : memref<!tpu.dma_semaphore, #tpu.memory_space<semaphore_mem>>)
      %dma_wait3A = arith.constant 0 : i32
      %dma_wait3A_17 = arith.constant 0 : i32
      %dma_wait3A_18 = tpu.memref_slice %arg3[%add3A, %dma_wait3A, %dma_wait3A_17] : memref<32x79x128xi32, #tpu.memory_space<hbm>> -> memref<1x79x128xi32, #tpu.memory_space<hbm>>
      %dma_wait3A_19 = tpu.memref_squeeze %dma_wait3A_18 : memref<1x79x128xi32, #tpu.memory_space<hbm>> -> memref<79x128xi32, #tpu.memory_space<hbm>>
      %dma_wait3A_20 = arith.constant 0 : i32
      %dma_wait3A_21 = arith.constant 0 : i32
      %dma_wait3A_22 = tpu.memref_slice %arg3[%add3A, %dma_wait3A_20, %dma_wait3A_21] : memref<32x79x128xi32, #tpu.memory_space<hbm>> -> memref<1x79x128xi32, #tpu.memory_space<hbm>>
      %dma_wait3A_23 = tpu.memref_squeeze %dma_wait3A_22 : memref<1x79x128xi32, #tpu.memory_space<hbm>> -> memref<79x128xi32, #tpu.memory_space<hbm>>
      tpu.wait_dma2 semaphore(%run_scoped3A_9 : memref<!tpu.dma_semaphore, #tpu.memory_space<semaphore_mem>>) src(%dma_wait3A_23 : memref<79x128xi32, #tpu.memory_space<hbm>>) dst(%arg7 : memref<79x128xi32, #tpu.memory_space<vmem>>)
      tpu.yield
    }) : () -> ()
    "tpu.region"() ({
      %run_scoped3A_9 = tpu.sem_alloc : memref<!tpu.dma_semaphore, #tpu.memory_space<semaphore_mem>>
      %dma_start3A = arith.constant 0 : i32
      %dma_start3A_10 = arith.constant 0 : i32
      %dma_start3A_11 = tpu.memref_slice %arg4[%add3A, %dma_start3A, %dma_start3A_10] : memref<32x79x128xi32, #tpu.memory_space<hbm>> -> memref<1x79x128xi32, #tpu.memory_space<hbm>>
      %dma_start3A_12 = tpu.memref_squeeze %dma_start3A_11 : memref<1x79x128xi32, #tpu.memory_space<hbm>> -> memref<79x128xi32, #tpu.memory_space<hbm>>
      %dma_start3A_13 = arith.constant 0 : i32
      %dma_start3A_14 = arith.constant 0 : i32
      %dma_start3A_15 = tpu.memref_slice %arg4[%add3A, %dma_start3A_13, %dma_start3A_14] : memref<32x79x128xi32, #tpu.memory_space<hbm>> -> memref<1x79x128xi32, #tpu.memory_space<hbm>>
      %dma_start3A_16 = tpu.memref_squeeze %dma_start3A_15 : memref<1x79x128xi32, #tpu.memory_space<hbm>> -> memref<79x128xi32, #tpu.memory_space<hbm>>
      tpu.enqueue_dma source(%dma_start3A_16 : memref<79x128xi32, #tpu.memory_space<hbm>>) target(%arg8 : memref<79x128xi32, #tpu.memory_space<vmem>>) target_semaphore(%run_scoped3A_9 : memref<!tpu.dma_semaphore, #tpu.memory_space<semaphore_mem>>)
      %dma_wait3A = arith.constant 0 : i32
      %dma_wait3A_17 = arith.constant 0 : i32
      %dma_wait3A_18 = tpu.memref_slice %arg4[%add3A, %dma_wait3A, %dma_wait3A_17] : memref<32x79x128xi32, #tpu.memory_space<hbm>> -> memref<1x79x128xi32, #tpu.memory_space<hbm>>
      %dma_wait3A_19 = tpu.memref_squeeze %dma_wait3A_18 : memref<1x79x128xi32, #tpu.memory_space<hbm>> -> memref<79x128xi32, #tpu.memory_space<hbm>>
      %dma_wait3A_20 = arith.constant 0 : i32
      %dma_wait3A_21 = arith.constant 0 : i32
      %dma_wait3A_22 = tpu.memref_slice %arg4[%add3A, %dma_wait3A_20, %dma_wait3A_21] : memref<32x79x128xi32, #tpu.memory_space<hbm>> -> memref<1x79x128xi32, #tpu.memory_space<hbm>>
      %dma_wait3A_23 = tpu.memref_squeeze %dma_wait3A_22 : memref<1x79x128xi32, #tpu.memory_space<hbm>> -> memref<79x128xi32, #tpu.memory_space<hbm>>
      tpu.wait_dma2 semaphore(%run_scoped3A_9 : memref<!tpu.dma_semaphore, #tpu.memory_space<semaphore_mem>>) src(%dma_wait3A_23 : memref<79x128xi32, #tpu.memory_space<hbm>>) dst(%arg8 : memref<79x128xi32, #tpu.memory_space<vmem>>)
      tpu.yield
    }) : () -> ()
    "tpu.region"() ({
      %run_scoped3A_9 = tpu.sem_alloc : memref<!tpu.dma_semaphore, #tpu.memory_space<semaphore_mem>>
      %dma_start3A = arith.constant 0 : i32
      %dma_start3A_10 = tpu.memref_slice %arg10[%mul3A_2, %dma_start3A] : memref<10240x128xf32, #tpu.memory_space<vmem_shared>> -> memref<640x128xf32, #tpu.memory_space<vmem_shared>>
      %dma_start3A_11 = arith.constant 0 : i32
      %dma_start3A_12 = tpu.memref_slice %arg5[%mul3A_2, %dma_start3A_11] : memref<10240x128xf32, #tpu.memory_space<hbm>> -> memref<640x128xf32, #tpu.memory_space<hbm>>
      tpu.enqueue_dma source(%dma_start3A_12 : memref<640x128xf32, #tpu.memory_space<hbm>>) target(%dma_start3A_10 : memref<640x128xf32, #tpu.memory_space<vmem_shared>>) target_semaphore(%run_scoped3A_9 : memref<!tpu.dma_semaphore, #tpu.memory_space<semaphore_mem>>)
      %dma_wait3A = arith.constant 0 : i32
      %dma_wait3A_13 = tpu.memref_slice %arg10[%mul3A_2, %dma_wait3A] : memref<10240x128xf32, #tpu.memory_space<vmem_shared>> -> memref<640x128xf32, #tpu.memory_space<vmem_shared>>
      %dma_wait3A_14 = arith.constant 0 : i32
      %dma_wait3A_15 = tpu.memref_slice %arg5[%mul3A_2, %dma_wait3A_14] : memref<10240x128xf32, #tpu.memory_space<hbm>> -> memref<640x128xf32, #tpu.memory_space<hbm>>
      tpu.wait_dma2 semaphore(%run_scoped3A_9 : memref<!tpu.dma_semaphore, #tpu.memory_space<semaphore_mem>>) src(%dma_wait3A_15 : memref<640x128xf32, #tpu.memory_space<hbm>>) dst(%dma_wait3A_13 : memref<640x128xf32, #tpu.memory_space<vmem_shared>>)
      tpu.yield
    }) : () -> ()
    %barrier3A = arith.constant 0 : index
    tpu.barrier barrier_id(%barrier3A)
    %scan3A = arith.constant 0 : i32
    %scan3A_3 = arith.constant 0 : i32
    %scan3A_4 = arith.constant 79 : i32
    %scan3A_5 = arith.addi %scan3A_3, %scan3A_4 : i32
    %scan3A_6 = arith.constant 1 : i32
    scf.for %scan3A_9 = %scan3A_3 to %scan3A_5 step %scan3A_6  : i32 {
      %dma_start3A = arith.constant 0 : i32
      %dma_start3A_10 = tpu.memref_slice %arg7[%scan3A_9, %dma_start3A] : memref<79x128xi32, #tpu.memory_space<vmem>> -> memref<1x128xi32, #tpu.memory_space<vmem>>
      %dma_start3A_11 = tpu.memref_squeeze %dma_start3A_10 : memref<1x128xi32, #tpu.memory_space<vmem>> -> memref<128xi32, #tpu.memory_space<vmem>>
      %dma_start3A_12 = arith.constant 0 : i32
      %dma_start3A_13 = arith.constant 0 : i32
      %dma_start3A_14 = tpu.memref_slice %arg2[%dma_start3A_12, %dma_start3A_13] : memref<10240x128xf32, #tpu.memory_space<hbm>> -> memref<10240x128xf32, #tpu.memory_space<hbm>>
      tpu.enqueue_indirect_dma source(%dma_start3A_14 : memref<10240x128xf32, #tpu.memory_space<hbm>>) target(%arg9 : memref<128x128xf32, #tpu.memory_space<vmem>>) offsets(%dma_start3A_11 : memref<128xi32, #tpu.memory_space<vmem>>) semaphore(%arg11 : memref<!tpu.dma_semaphore, #tpu.memory_space<semaphore_mem>>)
      %dma_wait3A = arith.constant 0 : i32
      %dma_wait3A_15 = tpu.memref_slice %arg7[%scan3A_9, %dma_wait3A] : memref<79x128xi32, #tpu.memory_space<vmem>> -> memref<1x128xi32, #tpu.memory_space<vmem>>
      %dma_wait3A_16 = tpu.memref_squeeze %dma_wait3A_15 : memref<1x128xi32, #tpu.memory_space<vmem>> -> memref<128xi32, #tpu.memory_space<vmem>>
      %dma_wait3A_17 = arith.constant 0 : i32
      %dma_wait3A_18 = arith.constant 0 : i32
      %dma_wait3A_19 = tpu.memref_slice %arg2[%dma_wait3A_17, %dma_wait3A_18] : memref<10240x128xf32, #tpu.memory_space<hbm>> -> memref<10240x128xf32, #tpu.memory_space<hbm>>
      tpu.wait_indirect_dma semaphore(%arg11 : memref<!tpu.dma_semaphore, #tpu.memory_space<semaphore_mem>>) src(%dma_wait3A_19 : memref<10240x128xf32, #tpu.memory_space<hbm>>) dst(%arg9 : memref<128x128xf32, #tpu.memory_space<vmem>>)
      "tpu.region"() ({
        %run_scoped3A_20 = tpu.sem_alloc : memref<!tpu.dma_semaphore, #tpu.memory_space<semaphore_mem>>
        %dma_start3A_21 = arith.constant 0 : i32
        %dma_start3A_22 = tpu.memref_slice %arg8[%scan3A_9, %dma_start3A_21] : memref<79x128xi32, #tpu.memory_space<vmem>> -> memref<1x128xi32, #tpu.memory_space<vmem>>
        %dma_start3A_23 = tpu.memref_squeeze %dma_start3A_22 : memref<1x128xi32, #tpu.memory_space<vmem>> -> memref<128xi32, #tpu.memory_space<vmem>>
        %dma_start3A_24 = arith.constant 0 : i32
        %dma_start3A_25 = arith.constant 0 : i32
        %dma_start3A_26 = tpu.memref_slice %arg10[%dma_start3A_24, %dma_start3A_25] : memref<10240x128xf32, #tpu.memory_space<vmem_shared>> -> memref<10240x128xf32, #tpu.memory_space<vmem_shared>>
        tpu.enqueue_indirect_dma source(%arg9 : memref<128x128xf32, #tpu.memory_space<vmem>>) target(%dma_start3A_26 : memref<10240x128xf32, #tpu.memory_space<vmem_shared>>) offsets(%dma_start3A_23 : memref<128xi32, #tpu.memory_space<vmem>>) semaphore(%run_scoped3A_20 : memref<!tpu.dma_semaphore, #tpu.memory_space<semaphore_mem>>) {add = true}
        %dma_wait3A_27 = arith.constant 0 : i32
        %dma_wait3A_28 = tpu.memref_slice %arg8[%scan3A_9, %dma_wait3A_27] : memref<79x128xi32, #tpu.memory_space<vmem>> -> memref<1x128xi32, #tpu.memory_space<vmem>>
        %dma_wait3A_29 = tpu.memref_squeeze %dma_wait3A_28 : memref<1x128xi32, #tpu.memory_space<vmem>> -> memref<128xi32, #tpu.memory_space<vmem>>
        %dma_wait3A_30 = arith.constant 0 : i32
        %dma_wait3A_31 = arith.constant 0 : i32
        %dma_wait3A_32 = tpu.memref_slice %arg10[%dma_wait3A_30, %dma_wait3A_31] : memref<10240x128xf32, #tpu.memory_space<vmem_shared>> -> memref<10240x128xf32, #tpu.memory_space<vmem_shared>>
        tpu.wait_indirect_dma semaphore(%run_scoped3A_20 : memref<!tpu.dma_semaphore, #tpu.memory_space<semaphore_mem>>) src(%arg9 : memref<128x128xf32, #tpu.memory_space<vmem>>) dst(%dma_wait3A_32 : memref<10240x128xf32, #tpu.memory_space<vmem_shared>>)
        tpu.yield
      }) : () -> ()
    }
    %scan3A_7 = arith.constant 79 : i32
    %barrier3A_8 = arith.constant 0 : index
    tpu.barrier barrier_id(%barrier3A_8)
    %run_scoped3A = arith.constant 0 : i32
    "tpu.region"() ({
      %run_scoped3A_9 = tpu.sem_alloc : memref<!tpu.dma_semaphore, #tpu.memory_space<semaphore_mem>>
      %dma_start3A = arith.constant 0 : i32
      %dma_start3A_10 = tpu.memref_slice %arg6[%arg0, %run_scoped3A, %mul3A_2, %dma_start3A] : memref<2x1x10240x128xf32, #tpu.memory_space<hbm>> -> memref<1x1x640x128xf32, #tpu.memory_space<hbm>>
      %dma_start3A_11 = tpu.memref_squeeze %dma_start3A_10 : memref<1x1x640x128xf32, #tpu.memory_space<hbm>> -> memref<640x128xf32, #tpu.memory_space<hbm>>
      %dma_start3A_12 = arith.constant 0 : i32
      %dma_start3A_13 = tpu.memref_slice %arg10[%mul3A_2, %dma_start3A_12] : memref<10240x128xf32, #tpu.memory_space<vmem_shared>> -> memref<640x128xf32, #tpu.memory_space<vmem_shared>>
      tpu.enqueue_dma source(%dma_start3A_13 : memref<640x128xf32, #tpu.memory_space<vmem_shared>>) target(%dma_start3A_11 : memref<640x128xf32, #tpu.memory_space<hbm>>) target_semaphore(%run_scoped3A_9 : memref<!tpu.dma_semaphore, #tpu.memory_space<semaphore_mem>>)
      %dma_wait3A = arith.constant 0 : i32
      %dma_wait3A_14 = tpu.memref_slice %arg6[%arg0, %run_scoped3A, %mul3A_2, %dma_wait3A] : memref<2x1x10240x128xf32, #tpu.memory_space<hbm>> -> memref<1x1x640x128xf32, #tpu.memory_space<hbm>>
      %dma_wait3A_15 = tpu.memref_squeeze %dma_wait3A_14 : memref<1x1x640x128xf32, #tpu.memory_space<hbm>> -> memref<640x128xf32, #tpu.memory_space<hbm>>
      %dma_wait3A_16 = arith.constant 0 : i32
      %dma_wait3A_17 = tpu.memref_slice %arg10[%mul3A_2, %dma_wait3A_16] : memref<10240x128xf32, #tpu.memory_space<vmem_shared>> -> memref<640x128xf32, #tpu.memory_space<vmem_shared>>
      tpu.wait_dma2 semaphore(%run_scoped3A_9 : memref<!tpu.dma_semaphore, #tpu.memory_space<semaphore_mem>>) src(%dma_wait3A_17 : memref<640x128xf32, #tpu.memory_space<vmem_shared>>) dst(%dma_wait3A_15 : memref<640x128xf32, #tpu.memory_space<hbm>>)
      tpu.yield
    }) : () -> ()
    return
  }
}

#map = affine_map<(d0, d1) -> (0, 0, 0)>
#map1 = affine_map<(d0, d1) -> (0, 0)>
module attributes {stable_mosaic.version = 14 : i64} {
  func.func @_deg_body(%arg0: i32, %arg1: i32, %arg2: memref<32x79x128xi32, #tpu.memory_space<hbm>>, %arg3: memref<128x128xf32, #tpu.memory_space<hbm>>, %arg4: memref<10240x128xf32, #tpu.memory_space<hbm>>, %arg5: memref<2x10240x128xf32, #tpu.memory_space<hbm>>, %arg6: memref<79x128xi32, #tpu.memory_space<vmem>>, %arg7: memref<128x128xf32, #tpu.memory_space<vmem>>, %arg8: memref<10240x128xf32, #tpu.memory_space<vmem_shared>>) attributes {dimension_semantics = [#tpu.dimension_semantics<core_parallel>, #tpu.dimension_semantics<subcore_parallel>], iteration_bounds = array<i64: 2, 16>, scalar_prefetch = 0 : i64, scratch_operands = 3 : i64, tpu.core_type = #tpu.core_type<sc_vector_subcore>, window_params = [{transform_indices = #map}, {transform_indices = #map1}, {transform_indices = #map1}, {transform_indices = #map}]} {
    %mul3A = arith.constant 2 : i32
    %mul3A_0 = arith.muli %arg1, %mul3A : i32
    %add3A = arith.addi %mul3A_0, %arg0 : i32
    %mul3A_1 = arith.constant 640 : i32
    %mul3A_2 = arith.muli %arg1, %mul3A_1 : i32
    "tpu.region"() ({
      %run_scoped3A = tpu.sem_alloc : memref<!tpu.dma_semaphore, #tpu.memory_space<semaphore_mem>>
      %dma_start3A = arith.constant 0 : i32
      %dma_start3A_9 = tpu.memref_slice %arg8[%mul3A_2, %dma_start3A] : memref<10240x128xf32, #tpu.memory_space<vmem_shared>> -> memref<640x128xf32, #tpu.memory_space<vmem_shared>>
      %dma_start3A_10 = arith.constant 0 : i32
      %dma_start3A_11 = tpu.memref_slice %arg4[%mul3A_2, %dma_start3A_10] : memref<10240x128xf32, #tpu.memory_space<hbm>> -> memref<640x128xf32, #tpu.memory_space<hbm>>
      tpu.enqueue_dma source(%dma_start3A_11 : memref<640x128xf32, #tpu.memory_space<hbm>>) target(%dma_start3A_9 : memref<640x128xf32, #tpu.memory_space<vmem_shared>>) target_semaphore(%run_scoped3A : memref<!tpu.dma_semaphore, #tpu.memory_space<semaphore_mem>>)
      %dma_wait3A = arith.constant 0 : i32
      %dma_wait3A_12 = tpu.memref_slice %arg8[%mul3A_2, %dma_wait3A] : memref<10240x128xf32, #tpu.memory_space<vmem_shared>> -> memref<640x128xf32, #tpu.memory_space<vmem_shared>>
      %dma_wait3A_13 = arith.constant 0 : i32
      %dma_wait3A_14 = tpu.memref_slice %arg4[%mul3A_2, %dma_wait3A_13] : memref<10240x128xf32, #tpu.memory_space<hbm>> -> memref<640x128xf32, #tpu.memory_space<hbm>>
      tpu.wait_dma2 semaphore(%run_scoped3A : memref<!tpu.dma_semaphore, #tpu.memory_space<semaphore_mem>>) src(%dma_wait3A_14 : memref<640x128xf32, #tpu.memory_space<hbm>>) dst(%dma_wait3A_12 : memref<640x128xf32, #tpu.memory_space<vmem_shared>>)
      tpu.yield
    }) : () -> ()
    "tpu.region"() ({
      %run_scoped3A = tpu.sem_alloc : memref<!tpu.dma_semaphore, #tpu.memory_space<semaphore_mem>>
      %dma_start3A = arith.constant 0 : i32
      %dma_start3A_9 = arith.constant 0 : i32
      %dma_start3A_10 = tpu.memref_slice %arg2[%add3A, %dma_start3A, %dma_start3A_9] : memref<32x79x128xi32, #tpu.memory_space<hbm>> -> memref<1x79x128xi32, #tpu.memory_space<hbm>>
      %dma_start3A_11 = tpu.memref_squeeze %dma_start3A_10 : memref<1x79x128xi32, #tpu.memory_space<hbm>> -> memref<79x128xi32, #tpu.memory_space<hbm>>
      %dma_start3A_12 = arith.constant 0 : i32
      %dma_start3A_13 = arith.constant 0 : i32
      %dma_start3A_14 = tpu.memref_slice %arg2[%add3A, %dma_start3A_12, %dma_start3A_13] : memref<32x79x128xi32, #tpu.memory_space<hbm>> -> memref<1x79x128xi32, #tpu.memory_space<hbm>>
      %dma_start3A_15 = tpu.memref_squeeze %dma_start3A_14 : memref<1x79x128xi32, #tpu.memory_space<hbm>> -> memref<79x128xi32, #tpu.memory_space<hbm>>
      tpu.enqueue_dma source(%dma_start3A_15 : memref<79x128xi32, #tpu.memory_space<hbm>>) target(%arg6 : memref<79x128xi32, #tpu.memory_space<vmem>>) target_semaphore(%run_scoped3A : memref<!tpu.dma_semaphore, #tpu.memory_space<semaphore_mem>>)
      %dma_wait3A = arith.constant 0 : i32
      %dma_wait3A_16 = arith.constant 0 : i32
      %dma_wait3A_17 = tpu.memref_slice %arg2[%add3A, %dma_wait3A, %dma_wait3A_16] : memref<32x79x128xi32, #tpu.memory_space<hbm>> -> memref<1x79x128xi32, #tpu.memory_space<hbm>>
      %dma_wait3A_18 = tpu.memref_squeeze %dma_wait3A_17 : memref<1x79x128xi32, #tpu.memory_space<hbm>> -> memref<79x128xi32, #tpu.memory_space<hbm>>
      %dma_wait3A_19 = arith.constant 0 : i32
      %dma_wait3A_20 = arith.constant 0 : i32
      %dma_wait3A_21 = tpu.memref_slice %arg2[%add3A, %dma_wait3A_19, %dma_wait3A_20] : memref<32x79x128xi32, #tpu.memory_space<hbm>> -> memref<1x79x128xi32, #tpu.memory_space<hbm>>
      %dma_wait3A_22 = tpu.memref_squeeze %dma_wait3A_21 : memref<1x79x128xi32, #tpu.memory_space<hbm>> -> memref<79x128xi32, #tpu.memory_space<hbm>>
      tpu.wait_dma2 semaphore(%run_scoped3A : memref<!tpu.dma_semaphore, #tpu.memory_space<semaphore_mem>>) src(%dma_wait3A_22 : memref<79x128xi32, #tpu.memory_space<hbm>>) dst(%arg6 : memref<79x128xi32, #tpu.memory_space<vmem>>)
      tpu.yield
    }) : () -> ()
    "tpu.region"() ({
      %run_scoped3A = tpu.sem_alloc : memref<!tpu.dma_semaphore, #tpu.memory_space<semaphore_mem>>
      tpu.enqueue_dma source(%arg3 : memref<128x128xf32, #tpu.memory_space<hbm>>) target(%arg7 : memref<128x128xf32, #tpu.memory_space<vmem>>) target_semaphore(%run_scoped3A : memref<!tpu.dma_semaphore, #tpu.memory_space<semaphore_mem>>)
      tpu.wait_dma2 semaphore(%run_scoped3A : memref<!tpu.dma_semaphore, #tpu.memory_space<semaphore_mem>>) src(%arg3 : memref<128x128xf32, #tpu.memory_space<hbm>>) dst(%arg7 : memref<128x128xf32, #tpu.memory_space<vmem>>)
      tpu.yield
    }) : () -> ()
    %barrier3A = arith.constant 0 : index
    tpu.barrier barrier_id(%barrier3A)
    %scan3A = arith.constant 0 : i32
    %scan3A_3 = arith.constant 0 : i32
    %scan3A_4 = arith.constant 79 : i32
    %scan3A_5 = arith.addi %scan3A_3, %scan3A_4 : i32
    %scan3A_6 = arith.constant 1 : i32
    scf.for %scan3A_9 = %scan3A_3 to %scan3A_5 step %scan3A_6  : i32 {
      "tpu.region"() ({
        %run_scoped3A = tpu.sem_alloc : memref<!tpu.dma_semaphore, #tpu.memory_space<semaphore_mem>>
        %dma_start3A = arith.constant 0 : i32
        %dma_start3A_10 = tpu.memref_slice %arg6[%scan3A_9, %dma_start3A] : memref<79x128xi32, #tpu.memory_space<vmem>> -> memref<1x128xi32, #tpu.memory_space<vmem>>
        %dma_start3A_11 = tpu.memref_squeeze %dma_start3A_10 : memref<1x128xi32, #tpu.memory_space<vmem>> -> memref<128xi32, #tpu.memory_space<vmem>>
        %dma_start3A_12 = arith.constant 0 : i32
        %dma_start3A_13 = arith.constant 0 : i32
        %dma_start3A_14 = tpu.memref_slice %arg8[%dma_start3A_12, %dma_start3A_13] : memref<10240x128xf32, #tpu.memory_space<vmem_shared>> -> memref<10240x128xf32, #tpu.memory_space<vmem_shared>>
        tpu.enqueue_indirect_dma source(%arg7 : memref<128x128xf32, #tpu.memory_space<vmem>>) target(%dma_start3A_14 : memref<10240x128xf32, #tpu.memory_space<vmem_shared>>) offsets(%dma_start3A_11 : memref<128xi32, #tpu.memory_space<vmem>>) semaphore(%run_scoped3A : memref<!tpu.dma_semaphore, #tpu.memory_space<semaphore_mem>>) {add = true}
        %dma_wait3A = arith.constant 0 : i32
        %dma_wait3A_15 = tpu.memref_slice %arg6[%scan3A_9, %dma_wait3A] : memref<79x128xi32, #tpu.memory_space<vmem>> -> memref<1x128xi32, #tpu.memory_space<vmem>>
        %dma_wait3A_16 = tpu.memref_squeeze %dma_wait3A_15 : memref<1x128xi32, #tpu.memory_space<vmem>> -> memref<128xi32, #tpu.memory_space<vmem>>
        %dma_wait3A_17 = arith.constant 0 : i32
        %dma_wait3A_18 = arith.constant 0 : i32
        %dma_wait3A_19 = tpu.memref_slice %arg8[%dma_wait3A_17, %dma_wait3A_18] : memref<10240x128xf32, #tpu.memory_space<vmem_shared>> -> memref<10240x128xf32, #tpu.memory_space<vmem_shared>>
        tpu.wait_indirect_dma semaphore(%run_scoped3A : memref<!tpu.dma_semaphore, #tpu.memory_space<semaphore_mem>>) src(%arg7 : memref<128x128xf32, #tpu.memory_space<vmem>>) dst(%dma_wait3A_19 : memref<10240x128xf32, #tpu.memory_space<vmem_shared>>)
        tpu.yield
      }) : () -> ()
    }
    %scan3A_7 = arith.constant 79 : i32
    %barrier3A_8 = arith.constant 0 : index
    tpu.barrier barrier_id(%barrier3A_8)
    "tpu.region"() ({
      %run_scoped3A = tpu.sem_alloc : memref<!tpu.dma_semaphore, #tpu.memory_space<semaphore_mem>>
      %dma_start3A = arith.constant 0 : i32
      %dma_start3A_9 = tpu.memref_slice %arg5[%arg0, %mul3A_2, %dma_start3A] : memref<2x10240x128xf32, #tpu.memory_space<hbm>> -> memref<1x640x128xf32, #tpu.memory_space<hbm>>
      %dma_start3A_10 = tpu.memref_squeeze %dma_start3A_9 : memref<1x640x128xf32, #tpu.memory_space<hbm>> -> memref<640x128xf32, #tpu.memory_space<hbm>>
      %dma_start3A_11 = arith.constant 0 : i32
      %dma_start3A_12 = tpu.memref_slice %arg8[%mul3A_2, %dma_start3A_11] : memref<10240x128xf32, #tpu.memory_space<vmem_shared>> -> memref<640x128xf32, #tpu.memory_space<vmem_shared>>
      tpu.enqueue_dma source(%dma_start3A_12 : memref<640x128xf32, #tpu.memory_space<vmem_shared>>) target(%dma_start3A_10 : memref<640x128xf32, #tpu.memory_space<hbm>>) target_semaphore(%run_scoped3A : memref<!tpu.dma_semaphore, #tpu.memory_space<semaphore_mem>>)
      %dma_wait3A = arith.constant 0 : i32
      %dma_wait3A_13 = tpu.memref_slice %arg5[%arg0, %mul3A_2, %dma_wait3A] : memref<2x10240x128xf32, #tpu.memory_space<hbm>> -> memref<1x640x128xf32, #tpu.memory_space<hbm>>
      %dma_wait3A_14 = tpu.memref_squeeze %dma_wait3A_13 : memref<1x640x128xf32, #tpu.memory_space<hbm>> -> memref<640x128xf32, #tpu.memory_space<hbm>>
      %dma_wait3A_15 = arith.constant 0 : i32
      %dma_wait3A_16 = tpu.memref_slice %arg8[%mul3A_2, %dma_wait3A_15] : memref<10240x128xf32, #tpu.memory_space<vmem_shared>> -> memref<640x128xf32, #tpu.memory_space<vmem_shared>>
      tpu.wait_dma2 semaphore(%run_scoped3A : memref<!tpu.dma_semaphore, #tpu.memory_space<semaphore_mem>>) src(%dma_wait3A_16 : memref<640x128xf32, #tpu.memory_space<vmem_shared>>) dst(%dma_wait3A_14 : memref<640x128xf32, #tpu.memory_space<hbm>>)
      tpu.yield
    }) : () -> ()
    return
  }
}

#map = affine_map<(d0, d1) -> (0, 0)>
#map1 = affine_map<(d0, d1) -> (0, 0, 0)>
#map2 = affine_map<(d0, d1) -> (0, 0, 0, 0)>
module attributes {stable_mosaic.version = 14 : i64} {
  func.func @body(%arg0: i32, %arg1: i32, %arg2: memref<10240x128xf32, #tpu.memory_space<hbm>>, %arg3: memref<10240x128xf32, #tpu.memory_space<hbm>>, %arg4: memref<10240x128xf32, #tpu.memory_space<hbm>>, %arg5: memref<10240x128xf32, #tpu.memory_space<hbm>>, %arg6: memref<32x79x128xi32, #tpu.memory_space<hbm>>, %arg7: memref<32x79x128xi32, #tpu.memory_space<hbm>>, %arg8: memref<10240x128xf32, #tpu.memory_space<hbm>>, %arg9: memref<2x4x10240x128xf32, #tpu.memory_space<hbm>>, %arg10: memref<79x128xi32, #tpu.memory_space<vmem>>, %arg11: memref<79x128xi32, #tpu.memory_space<vmem>>, %arg12: memref<128x128xf32, #tpu.memory_space<vmem>>, %arg13: memref<10240x128xf32, #tpu.memory_space<vmem_shared>>, %arg14: memref<!tpu.dma_semaphore, #tpu.memory_space<semaphore_mem>>) attributes {dimension_semantics = [#tpu.dimension_semantics<core_parallel>, #tpu.dimension_semantics<subcore_parallel>], iteration_bounds = array<i64: 2, 16>, scalar_prefetch = 0 : i64, scratch_operands = 5 : i64, tpu.core_type = #tpu.core_type<sc_vector_subcore>, window_params = [{transform_indices = #map}, {transform_indices = #map}, {transform_indices = #map}, {transform_indices = #map}, {transform_indices = #map1}, {transform_indices = #map1}, {transform_indices = #map}, {transform_indices = #map2}]} {
    %mul3A = arith.constant 2 : i32
    %mul3A_0 = arith.muli %arg1, %mul3A : i32
    %add3A = arith.addi %mul3A_0, %arg0 : i32
    %mul3A_1 = arith.constant 640 : i32
    %mul3A_2 = arith.muli %arg1, %mul3A_1 : i32
    "tpu.region"() ({
      %run_scoped3A_36 = tpu.sem_alloc : memref<!tpu.dma_semaphore, #tpu.memory_space<semaphore_mem>>
      %dma_start3A = arith.constant 0 : i32
      %dma_start3A_37 = arith.constant 0 : i32
      %dma_start3A_38 = tpu.memref_slice %arg6[%add3A, %dma_start3A, %dma_start3A_37] : memref<32x79x128xi32, #tpu.memory_space<hbm>> -> memref<1x79x128xi32, #tpu.memory_space<hbm>>
      %dma_start3A_39 = tpu.memref_squeeze %dma_start3A_38 : memref<1x79x128xi32, #tpu.memory_space<hbm>> -> memref<79x128xi32, #tpu.memory_space<hbm>>
      %dma_start3A_40 = arith.constant 0 : i32
      %dma_start3A_41 = arith.constant 0 : i32
      %dma_start3A_42 = tpu.memref_slice %arg6[%add3A, %dma_start3A_40, %dma_start3A_41] : memref<32x79x128xi32, #tpu.memory_space<hbm>> -> memref<1x79x128xi32, #tpu.memory_space<hbm>>
      %dma_start3A_43 = tpu.memref_squeeze %dma_start3A_42 : memref<1x79x128xi32, #tpu.memory_space<hbm>> -> memref<79x128xi32, #tpu.memory_space<hbm>>
      tpu.enqueue_dma source(%dma_start3A_43 : memref<79x128xi32, #tpu.memory_space<hbm>>) target(%arg10 : memref<79x128xi32, #tpu.memory_space<vmem>>) target_semaphore(%run_scoped3A_36 : memref<!tpu.dma_semaphore, #tpu.memory_space<semaphore_mem>>)
      %dma_wait3A = arith.constant 0 : i32
      %dma_wait3A_44 = arith.constant 0 : i32
      %dma_wait3A_45 = tpu.memref_slice %arg6[%add3A, %dma_wait3A, %dma_wait3A_44] : memref<32x79x128xi32, #tpu.memory_space<hbm>> -> memref<1x79x128xi32, #tpu.memory_space<hbm>>
      %dma_wait3A_46 = tpu.memref_squeeze %dma_wait3A_45 : memref<1x79x128xi32, #tpu.memory_space<hbm>> -> memref<79x128xi32, #tpu.memory_space<hbm>>
      %dma_wait3A_47 = arith.constant 0 : i32
      %dma_wait3A_48 = arith.constant 0 : i32
      %dma_wait3A_49 = tpu.memref_slice %arg6[%add3A, %dma_wait3A_47, %dma_wait3A_48] : memref<32x79x128xi32, #tpu.memory_space<hbm>> -> memref<1x79x128xi32, #tpu.memory_space<hbm>>
      %dma_wait3A_50 = tpu.memref_squeeze %dma_wait3A_49 : memref<1x79x128xi32, #tpu.memory_space<hbm>> -> memref<79x128xi32, #tpu.memory_space<hbm>>
      tpu.wait_dma2 semaphore(%run_scoped3A_36 : memref<!tpu.dma_semaphore, #tpu.memory_space<semaphore_mem>>) src(%dma_wait3A_50 : memref<79x128xi32, #tpu.memory_space<hbm>>) dst(%arg10 : memref<79x128xi32, #tpu.memory_space<vmem>>)
      tpu.yield
    }) : () -> ()
    "tpu.region"() ({
      %run_scoped3A_36 = tpu.sem_alloc : memref<!tpu.dma_semaphore, #tpu.memory_space<semaphore_mem>>
      %dma_start3A = arith.constant 0 : i32
      %dma_start3A_37 = arith.constant 0 : i32
      %dma_start3A_38 = tpu.memref_slice %arg7[%add3A, %dma_start3A, %dma_start3A_37] : memref<32x79x128xi32, #tpu.memory_space<hbm>> -> memref<1x79x128xi32, #tpu.memory_space<hbm>>
      %dma_start3A_39 = tpu.memref_squeeze %dma_start3A_38 : memref<1x79x128xi32, #tpu.memory_space<hbm>> -> memref<79x128xi32, #tpu.memory_space<hbm>>
      %dma_start3A_40 = arith.constant 0 : i32
      %dma_start3A_41 = arith.constant 0 : i32
      %dma_start3A_42 = tpu.memref_slice %arg7[%add3A, %dma_start3A_40, %dma_start3A_41] : memref<32x79x128xi32, #tpu.memory_space<hbm>> -> memref<1x79x128xi32, #tpu.memory_space<hbm>>
      %dma_start3A_43 = tpu.memref_squeeze %dma_start3A_42 : memref<1x79x128xi32, #tpu.memory_space<hbm>> -> memref<79x128xi32, #tpu.memory_space<hbm>>
      tpu.enqueue_dma source(%dma_start3A_43 : memref<79x128xi32, #tpu.memory_space<hbm>>) target(%arg11 : memref<79x128xi32, #tpu.memory_space<vmem>>) target_semaphore(%run_scoped3A_36 : memref<!tpu.dma_semaphore, #tpu.memory_space<semaphore_mem>>)
      %dma_wait3A = arith.constant 0 : i32
      %dma_wait3A_44 = arith.constant 0 : i32
      %dma_wait3A_45 = tpu.memref_slice %arg7[%add3A, %dma_wait3A, %dma_wait3A_44] : memref<32x79x128xi32, #tpu.memory_space<hbm>> -> memref<1x79x128xi32, #tpu.memory_space<hbm>>
      %dma_wait3A_46 = tpu.memref_squeeze %dma_wait3A_45 : memref<1x79x128xi32, #tpu.memory_space<hbm>> -> memref<79x128xi32, #tpu.memory_space<hbm>>
      %dma_wait3A_47 = arith.constant 0 : i32
      %dma_wait3A_48 = arith.constant 0 : i32
      %dma_wait3A_49 = tpu.memref_slice %arg7[%add3A, %dma_wait3A_47, %dma_wait3A_48] : memref<32x79x128xi32, #tpu.memory_space<hbm>> -> memref<1x79x128xi32, #tpu.memory_space<hbm>>
      %dma_wait3A_50 = tpu.memref_squeeze %dma_wait3A_49 : memref<1x79x128xi32, #tpu.memory_space<hbm>> -> memref<79x128xi32, #tpu.memory_space<hbm>>
      tpu.wait_dma2 semaphore(%run_scoped3A_36 : memref<!tpu.dma_semaphore, #tpu.memory_space<semaphore_mem>>) src(%dma_wait3A_50 : memref<79x128xi32, #tpu.memory_space<hbm>>) dst(%arg11 : memref<79x128xi32, #tpu.memory_space<vmem>>)
      tpu.yield
    }) : () -> ()
    "tpu.region"() ({
      %run_scoped3A_36 = tpu.sem_alloc : memref<!tpu.dma_semaphore, #tpu.memory_space<semaphore_mem>>
      %dma_start3A = arith.constant 0 : i32
      %dma_start3A_37 = tpu.memref_slice %arg13[%mul3A_2, %dma_start3A] : memref<10240x128xf32, #tpu.memory_space<vmem_shared>> -> memref<640x128xf32, #tpu.memory_space<vmem_shared>>
      %dma_start3A_38 = arith.constant 0 : i32
      %dma_start3A_39 = tpu.memref_slice %arg8[%mul3A_2, %dma_start3A_38] : memref<10240x128xf32, #tpu.memory_space<hbm>> -> memref<640x128xf32, #tpu.memory_space<hbm>>
      tpu.enqueue_dma source(%dma_start3A_39 : memref<640x128xf32, #tpu.memory_space<hbm>>) target(%dma_start3A_37 : memref<640x128xf32, #tpu.memory_space<vmem_shared>>) target_semaphore(%run_scoped3A_36 : memref<!tpu.dma_semaphore, #tpu.memory_space<semaphore_mem>>)
      %dma_wait3A = arith.constant 0 : i32
      %dma_wait3A_40 = tpu.memref_slice %arg13[%mul3A_2, %dma_wait3A] : memref<10240x128xf32, #tpu.memory_space<vmem_shared>> -> memref<640x128xf32, #tpu.memory_space<vmem_shared>>
      %dma_wait3A_41 = arith.constant 0 : i32
      %dma_wait3A_42 = tpu.memref_slice %arg8[%mul3A_2, %dma_wait3A_41] : memref<10240x128xf32, #tpu.memory_space<hbm>> -> memref<640x128xf32, #tpu.memory_space<hbm>>
      tpu.wait_dma2 semaphore(%run_scoped3A_36 : memref<!tpu.dma_semaphore, #tpu.memory_space<semaphore_mem>>) src(%dma_wait3A_42 : memref<640x128xf32, #tpu.memory_space<hbm>>) dst(%dma_wait3A_40 : memref<640x128xf32, #tpu.memory_space<vmem_shared>>)
      tpu.yield
    }) : () -> ()
    %barrier3A = arith.constant 0 : index
    tpu.barrier barrier_id(%barrier3A)
    %scan3A = arith.constant 0 : i32
    %scan3A_3 = arith.constant 0 : i32
    %scan3A_4 = arith.constant 79 : i32
    %scan3A_5 = arith.addi %scan3A_3, %scan3A_4 : i32
    %scan3A_6 = arith.constant 1 : i32
    scf.for %scan3A_36 = %scan3A_3 to %scan3A_5 step %scan3A_6  : i32 {
      %dma_start3A = arith.constant 0 : i32
      %dma_start3A_37 = tpu.memref_slice %arg10[%scan3A_36, %dma_start3A] : memref<79x128xi32, #tpu.memory_space<vmem>> -> memref<1x128xi32, #tpu.memory_space<vmem>>
      %dma_start3A_38 = tpu.memref_squeeze %dma_start3A_37 : memref<1x128xi32, #tpu.memory_space<vmem>> -> memref<128xi32, #tpu.memory_space<vmem>>
      %dma_start3A_39 = arith.constant 0 : i32
      %dma_start3A_40 = arith.constant 0 : i32
      %dma_start3A_41 = tpu.memref_slice %arg2[%dma_start3A_39, %dma_start3A_40] : memref<10240x128xf32, #tpu.memory_space<hbm>> -> memref<10240x128xf32, #tpu.memory_space<hbm>>
      tpu.enqueue_indirect_dma source(%dma_start3A_41 : memref<10240x128xf32, #tpu.memory_space<hbm>>) target(%arg12 : memref<128x128xf32, #tpu.memory_space<vmem>>) offsets(%dma_start3A_38 : memref<128xi32, #tpu.memory_space<vmem>>) semaphore(%arg14 : memref<!tpu.dma_semaphore, #tpu.memory_space<semaphore_mem>>)
      %dma_wait3A = arith.constant 0 : i32
      %dma_wait3A_42 = tpu.memref_slice %arg10[%scan3A_36, %dma_wait3A] : memref<79x128xi32, #tpu.memory_space<vmem>> -> memref<1x128xi32, #tpu.memory_space<vmem>>
      %dma_wait3A_43 = tpu.memref_squeeze %dma_wait3A_42 : memref<1x128xi32, #tpu.memory_space<vmem>> -> memref<128xi32, #tpu.memory_space<vmem>>
      %dma_wait3A_44 = arith.constant 0 : i32
      %dma_wait3A_45 = arith.constant 0 : i32
      %dma_wait3A_46 = tpu.memref_slice %arg2[%dma_wait3A_44, %dma_wait3A_45] : memref<10240x128xf32, #tpu.memory_space<hbm>> -> memref<10240x128xf32, #tpu.memory_space<hbm>>
      tpu.wait_indirect_dma semaphore(%arg14 : memref<!tpu.dma_semaphore, #tpu.memory_space<semaphore_mem>>) src(%dma_wait3A_46 : memref<10240x128xf32, #tpu.memory_space<hbm>>) dst(%arg12 : memref<128x128xf32, #tpu.memory_space<vmem>>)
      "tpu.region"() ({
        %run_scoped3A_47 = tpu.sem_alloc : memref<!tpu.dma_semaphore, #tpu.memory_space<semaphore_mem>>
        %dma_start3A_48 = arith.constant 0 : i32
        %dma_start3A_49 = tpu.memref_slice %arg11[%scan3A_36, %dma_start3A_48] : memref<79x128xi32, #tpu.memory_space<vmem>> -> memref<1x128xi32, #tpu.memory_space<vmem>>
        %dma_start3A_50 = tpu.memref_squeeze %dma_start3A_49 : memref<1x128xi32, #tpu.memory_space<vmem>> -> memref<128xi32, #tpu.memory_space<vmem>>
        %dma_start3A_51 = arith.constant 0 : i32
        %dma_start3A_52 = arith.constant 0 : i32
        %dma_start3A_53 = tpu.memref_slice %arg13[%dma_start3A_51, %dma_start3A_52] : memref<10240x128xf32, #tpu.memory_space<vmem_shared>> -> memref<10240x128xf32, #tpu.memory_space<vmem_shared>>
        tpu.enqueue_indirect_dma source(%arg12 : memref<128x128xf32, #tpu.memory_space<vmem>>) target(%dma_start3A_53 : memref<10240x128xf32, #tpu.memory_space<vmem_shared>>) offsets(%dma_start3A_50 : memref<128xi32, #tpu.memory_space<vmem>>) semaphore(%run_scoped3A_47 : memref<!tpu.dma_semaphore, #tpu.memory_space<semaphore_mem>>) {add = true}
        %dma_wait3A_54 = arith.constant 0 : i32
        %dma_wait3A_55 = tpu.memref_slice %arg11[%scan3A_36, %dma_wait3A_54] : memref<79x128xi32, #tpu.memory_space<vmem>> -> memref<1x128xi32, #tpu.memory_space<vmem>>
        %dma_wait3A_56 = tpu.memref_squeeze %dma_wait3A_55 : memref<1x128xi32, #tpu.memory_space<vmem>> -> memref<128xi32, #tpu.memory_space<vmem>>
        %dma_wait3A_57 = arith.constant 0 : i32
        %dma_wait3A_58 = arith.constant 0 : i32
        %dma_wait3A_59 = tpu.memref_slice %arg13[%dma_wait3A_57, %dma_wait3A_58] : memref<10240x128xf32, #tpu.memory_space<vmem_shared>> -> memref<10240x128xf32, #tpu.memory_space<vmem_shared>>
        tpu.wait_indirect_dma semaphore(%run_scoped3A_47 : memref<!tpu.dma_semaphore, #tpu.memory_space<semaphore_mem>>) src(%arg12 : memref<128x128xf32, #tpu.memory_space<vmem>>) dst(%dma_wait3A_59 : memref<10240x128xf32, #tpu.memory_space<vmem_shared>>)
        tpu.yield
      }) : () -> ()
    }
    %scan3A_7 = arith.constant 79 : i32
    %barrier3A_8 = arith.constant 0 : index
    tpu.barrier barrier_id(%barrier3A_8)
    %run_scoped3A = arith.constant 0 : i32
    "tpu.region"() ({
      %run_scoped3A_36 = tpu.sem_alloc : memref<!tpu.dma_semaphore, #tpu.memory_space<semaphore_mem>>
      %dma_start3A = arith.constant 0 : i32
      %dma_start3A_37 = tpu.memref_slice %arg9[%arg0, %run_scoped3A, %mul3A_2, %dma_start3A] : memref<2x4x10240x128xf32, #tpu.memory_space<hbm>> -> memref<1x1x640x128xf32, #tpu.memory_space<hbm>>
      %dma_start3A_38 = tpu.memref_squeeze %dma_start3A_37 : memref<1x1x640x128xf32, #tpu.memory_space<hbm>> -> memref<640x128xf32, #tpu.memory_space<hbm>>
      %dma_start3A_39 = arith.constant 0 : i32
      %dma_start3A_40 = tpu.memref_slice %arg13[%mul3A_2, %dma_start3A_39] : memref<10240x128xf32, #tpu.memory_space<vmem_shared>> -> memref<640x128xf32, #tpu.memory_space<vmem_shared>>
      tpu.enqueue_dma source(%dma_start3A_40 : memref<640x128xf32, #tpu.memory_space<vmem_shared>>) target(%dma_start3A_38 : memref<640x128xf32, #tpu.memory_space<hbm>>) target_semaphore(%run_scoped3A_36 : memref<!tpu.dma_semaphore, #tpu.memory_space<semaphore_mem>>)
      %dma_wait3A = arith.constant 0 : i32
      %dma_wait3A_41 = tpu.memref_slice %arg9[%arg0, %run_scoped3A, %mul3A_2, %dma_wait3A] : memref<2x4x10240x128xf32, #tpu.memory_space<hbm>> -> memref<1x1x640x128xf32, #tpu.memory_space<hbm>>
      %dma_wait3A_42 = tpu.memref_squeeze %dma_wait3A_41 : memref<1x1x640x128xf32, #tpu.memory_space<hbm>> -> memref<640x128xf32, #tpu.memory_space<hbm>>
      %dma_wait3A_43 = arith.constant 0 : i32
      %dma_wait3A_44 = tpu.memref_slice %arg13[%mul3A_2, %dma_wait3A_43] : memref<10240x128xf32, #tpu.memory_space<vmem_shared>> -> memref<640x128xf32, #tpu.memory_space<vmem_shared>>
      tpu.wait_dma2 semaphore(%run_scoped3A_36 : memref<!tpu.dma_semaphore, #tpu.memory_space<semaphore_mem>>) src(%dma_wait3A_44 : memref<640x128xf32, #tpu.memory_space<vmem_shared>>) dst(%dma_wait3A_42 : memref<640x128xf32, #tpu.memory_space<hbm>>)
      tpu.yield
    }) : () -> ()
    "tpu.region"() ({
      %run_scoped3A_36 = tpu.sem_alloc : memref<!tpu.dma_semaphore, #tpu.memory_space<semaphore_mem>>
      %dma_start3A = arith.constant 0 : i32
      %dma_start3A_37 = tpu.memref_slice %arg13[%mul3A_2, %dma_start3A] : memref<10240x128xf32, #tpu.memory_space<vmem_shared>> -> memref<640x128xf32, #tpu.memory_space<vmem_shared>>
      %dma_start3A_38 = arith.constant 0 : i32
      %dma_start3A_39 = tpu.memref_slice %arg8[%mul3A_2, %dma_start3A_38] : memref<10240x128xf32, #tpu.memory_space<hbm>> -> memref<640x128xf32, #tpu.memory_space<hbm>>
      tpu.enqueue_dma source(%dma_start3A_39 : memref<640x128xf32, #tpu.memory_space<hbm>>) target(%dma_start3A_37 : memref<640x128xf32, #tpu.memory_space<vmem_shared>>) target_semaphore(%run_scoped3A_36 : memref<!tpu.dma_semaphore, #tpu.memory_space<semaphore_mem>>)
      %dma_wait3A = arith.constant 0 : i32
      %dma_wait3A_40 = tpu.memref_slice %arg13[%mul3A_2, %dma_wait3A] : memref<10240x128xf32, #tpu.memory_space<vmem_shared>> -> memref<640x128xf32, #tpu.memory_space<vmem_shared>>
      %dma_wait3A_41 = arith.constant 0 : i32
      %dma_wait3A_42 = tpu.memref_slice %arg8[%mul3A_2, %dma_wait3A_41] : memref<10240x128xf32, #tpu.memory_space<hbm>> -> memref<640x128xf32, #tpu.memory_space<hbm>>
      tpu.wait_dma2 semaphore(%run_scoped3A_36 : memref<!tpu.dma_semaphore, #tpu.memory_space<semaphore_mem>>) src(%dma_wait3A_42 : memref<640x128xf32, #tpu.memory_space<hbm>>) dst(%dma_wait3A_40 : memref<640x128xf32, #tpu.memory_space<vmem_shared>>)
      tpu.yield
    }) : () -> ()
    %barrier3A_9 = arith.constant 0 : index
    tpu.barrier barrier_id(%barrier3A_9)
    %scan3A_10 = arith.constant 0 : i32
    %scan3A_11 = arith.constant 0 : i32
    %scan3A_12 = arith.constant 79 : i32
    %scan3A_13 = arith.addi %scan3A_11, %scan3A_12 : i32
    %scan3A_14 = arith.constant 1 : i32
    scf.for %scan3A_36 = %scan3A_11 to %scan3A_13 step %scan3A_14  : i32 {
      %dma_start3A = arith.constant 0 : i32
      %dma_start3A_37 = tpu.memref_slice %arg10[%scan3A_36, %dma_start3A] : memref<79x128xi32, #tpu.memory_space<vmem>> -> memref<1x128xi32, #tpu.memory_space<vmem>>
      %dma_start3A_38 = tpu.memref_squeeze %dma_start3A_37 : memref<1x128xi32, #tpu.memory_space<vmem>> -> memref<128xi32, #tpu.memory_space<vmem>>
      %dma_start3A_39 = arith.constant 0 : i32
      %dma_start3A_40 = arith.constant 0 : i32
      %dma_start3A_41 = tpu.memref_slice %arg3[%dma_start3A_39, %dma_start3A_40] : memref<10240x128xf32, #tpu.memory_space<hbm>> -> memref<10240x128xf32, #tpu.memory_space<hbm>>
      tpu.enqueue_indirect_dma source(%dma_start3A_41 : memref<10240x128xf32, #tpu.memory_space<hbm>>) target(%arg12 : memref<128x128xf32, #tpu.memory_space<vmem>>) offsets(%dma_start3A_38 : memref<128xi32, #tpu.memory_space<vmem>>) semaphore(%arg14 : memref<!tpu.dma_semaphore, #tpu.memory_space<semaphore_mem>>)
      %dma_wait3A = arith.constant 0 : i32
      %dma_wait3A_42 = tpu.memref_slice %arg10[%scan3A_36, %dma_wait3A] : memref<79x128xi32, #tpu.memory_space<vmem>> -> memref<1x128xi32, #tpu.memory_space<vmem>>
      %dma_wait3A_43 = tpu.memref_squeeze %dma_wait3A_42 : memref<1x128xi32, #tpu.memory_space<vmem>> -> memref<128xi32, #tpu.memory_space<vmem>>
      %dma_wait3A_44 = arith.constant 0 : i32
      %dma_wait3A_45 = arith.constant 0 : i32
      %dma_wait3A_46 = tpu.memref_slice %arg3[%dma_wait3A_44, %dma_wait3A_45] : memref<10240x128xf32, #tpu.memory_space<hbm>> -> memref<10240x128xf32, #tpu.memory_space<hbm>>
      tpu.wait_indirect_dma semaphore(%arg14 : memref<!tpu.dma_semaphore, #tpu.memory_space<semaphore_mem>>) src(%dma_wait3A_46 : memref<10240x128xf32, #tpu.memory_space<hbm>>) dst(%arg12 : memref<128x128xf32, #tpu.memory_space<vmem>>)
      "tpu.region"() ({
        %run_scoped3A_47 = tpu.sem_alloc : memref<!tpu.dma_semaphore, #tpu.memory_space<semaphore_mem>>
        %dma_start3A_48 = arith.constant 0 : i32
        %dma_start3A_49 = tpu.memref_slice %arg11[%scan3A_36, %dma_start3A_48] : memref<79x128xi32, #tpu.memory_space<vmem>> -> memref<1x128xi32, #tpu.memory_space<vmem>>
        %dma_start3A_50 = tpu.memref_squeeze %dma_start3A_49 : memref<1x128xi32, #tpu.memory_space<vmem>> -> memref<128xi32, #tpu.memory_space<vmem>>
        %dma_start3A_51 = arith.constant 0 : i32
        %dma_start3A_52 = arith.constant 0 : i32
        %dma_start3A_53 = tpu.memref_slice %arg13[%dma_start3A_51, %dma_start3A_52] : memref<10240x128xf32, #tpu.memory_space<vmem_shared>> -> memref<10240x128xf32, #tpu.memory_space<vmem_shared>>
        tpu.enqueue_indirect_dma source(%arg12 : memref<128x128xf32, #tpu.memory_space<vmem>>) target(%dma_start3A_53 : memref<10240x128xf32, #tpu.memory_space<vmem_shared>>) offsets(%dma_start3A_50 : memref<128xi32, #tpu.memory_space<vmem>>) semaphore(%run_scoped3A_47 : memref<!tpu.dma_semaphore, #tpu.memory_space<semaphore_mem>>) {add = true}
        %dma_wait3A_54 = arith.constant 0 : i32
        %dma_wait3A_55 = tpu.memref_slice %arg11[%scan3A_36, %dma_wait3A_54] : memref<79x128xi32, #tpu.memory_space<vmem>> -> memref<1x128xi32, #tpu.memory_space<vmem>>
        %dma_wait3A_56 = tpu.memref_squeeze %dma_wait3A_55 : memref<1x128xi32, #tpu.memory_space<vmem>> -> memref<128xi32, #tpu.memory_space<vmem>>
        %dma_wait3A_57 = arith.constant 0 : i32
        %dma_wait3A_58 = arith.constant 0 : i32
        %dma_wait3A_59 = tpu.memref_slice %arg13[%dma_wait3A_57, %dma_wait3A_58] : memref<10240x128xf32, #tpu.memory_space<vmem_shared>> -> memref<10240x128xf32, #tpu.memory_space<vmem_shared>>
        tpu.wait_indirect_dma semaphore(%run_scoped3A_47 : memref<!tpu.dma_semaphore, #tpu.memory_space<semaphore_mem>>) src(%arg12 : memref<128x128xf32, #tpu.memory_space<vmem>>) dst(%dma_wait3A_59 : memref<10240x128xf32, #tpu.memory_space<vmem_shared>>)
        tpu.yield
      }) : () -> ()
    }
    %scan3A_15 = arith.constant 79 : i32
    %barrier3A_16 = arith.constant 0 : index
    tpu.barrier barrier_id(%barrier3A_16)
    %run_scoped3A_17 = arith.constant 1 : i32
    "tpu.region"() ({
      %run_scoped3A_36 = tpu.sem_alloc : memref<!tpu.dma_semaphore, #tpu.memory_space<semaphore_mem>>
      %dma_start3A = arith.constant 0 : i32
      %dma_start3A_37 = tpu.memref_slice %arg9[%arg0, %run_scoped3A_17, %mul3A_2, %dma_start3A] : memref<2x4x10240x128xf32, #tpu.memory_space<hbm>> -> memref<1x1x640x128xf32, #tpu.memory_space<hbm>>
      %dma_start3A_38 = tpu.memref_squeeze %dma_start3A_37 : memref<1x1x640x128xf32, #tpu.memory_space<hbm>> -> memref<640x128xf32, #tpu.memory_space<hbm>>
      %dma_start3A_39 = arith.constant 0 : i32
      %dma_start3A_40 = tpu.memref_slice %arg13[%mul3A_2, %dma_start3A_39] : memref<10240x128xf32, #tpu.memory_space<vmem_shared>> -> memref<640x128xf32, #tpu.memory_space<vmem_shared>>
      tpu.enqueue_dma source(%dma_start3A_40 : memref<640x128xf32, #tpu.memory_space<vmem_shared>>) target(%dma_start3A_38 : memref<640x128xf32, #tpu.memory_space<hbm>>) target_semaphore(%run_scoped3A_36 : memref<!tpu.dma_semaphore, #tpu.memory_space<semaphore_mem>>)
      %dma_wait3A = arith.constant 0 : i32
      %dma_wait3A_41 = tpu.memref_slice %arg9[%arg0, %run_scoped3A_17, %mul3A_2, %dma_wait3A] : memref<2x4x10240x128xf32, #tpu.memory_space<hbm>> -> memref<1x1x640x128xf32, #tpu.memory_space<hbm>>
      %dma_wait3A_42 = tpu.memref_squeeze %dma_wait3A_41 : memref<1x1x640x128xf32, #tpu.memory_space<hbm>> -> memref<640x128xf32, #tpu.memory_space<hbm>>
      %dma_wait3A_43 = arith.constant 0 : i32
      %dma_wait3A_44 = tpu.memref_slice %arg13[%mul3A_2, %dma_wait3A_43] : memref<10240x128xf32, #tpu.memory_space<vmem_shared>> -> memref<640x128xf32, #tpu.memory_space<vmem_shared>>
      tpu.wait_dma2 semaphore(%run_scoped3A_36 : memref<!tpu.dma_semaphore, #tpu.memory_space<semaphore_mem>>) src(%dma_wait3A_44 : memref<640x128xf32, #tpu.memory_space<vmem_shared>>) dst(%dma_wait3A_42 : memref<640x128xf32, #tpu.memory_space<hbm>>)
      tpu.yield
    }) : () -> ()
    "tpu.region"() ({
      %run_scoped3A_36 = tpu.sem_alloc : memref<!tpu.dma_semaphore, #tpu.memory_space<semaphore_mem>>
      %dma_start3A = arith.constant 0 : i32
      %dma_start3A_37 = tpu.memref_slice %arg13[%mul3A_2, %dma_start3A] : memref<10240x128xf32, #tpu.memory_space<vmem_shared>> -> memref<640x128xf32, #tpu.memory_space<vmem_shared>>
      %dma_start3A_38 = arith.constant 0 : i32
      %dma_start3A_39 = tpu.memref_slice %arg8[%mul3A_2, %dma_start3A_38] : memref<10240x128xf32, #tpu.memory_space<hbm>> -> memref<640x128xf32, #tpu.memory_space<hbm>>
      tpu.enqueue_dma source(%dma_start3A_39 : memref<640x128xf32, #tpu.memory_space<hbm>>) target(%dma_start3A_37 : memref<640x128xf32, #tpu.memory_space<vmem_shared>>) target_semaphore(%run_scoped3A_36 : memref<!tpu.dma_semaphore, #tpu.memory_space<semaphore_mem>>)
      %dma_wait3A = arith.constant 0 : i32
      %dma_wait3A_40 = tpu.memref_slice %arg13[%mul3A_2, %dma_wait3A] : memref<10240x128xf32, #tpu.memory_space<vmem_shared>> -> memref<640x128xf32, #tpu.memory_space<vmem_shared>>
      %dma_wait3A_41 = arith.constant 0 : i32
      %dma_wait3A_42 = tpu.memref_slice %arg8[%mul3A_2, %dma_wait3A_41] : memref<10240x128xf32, #tpu.memory_space<hbm>> -> memref<640x128xf32, #tpu.memory_space<hbm>>
      tpu.wait_dma2 semaphore(%run_scoped3A_36 : memref<!tpu.dma_semaphore, #tpu.memory_space<semaphore_mem>>) src(%dma_wait3A_42 : memref<640x128xf32, #tpu.memory_space<hbm>>) dst(%dma_wait3A_40 : memref<640x128xf32, #tpu.memory_space<vmem_shared>>)
      tpu.yield
    }) : () -> ()
    %barrier3A_18 = arith.constant 0 : index
    tpu.barrier barrier_id(%barrier3A_18)
    %scan3A_19 = arith.constant 0 : i32
    %scan3A_20 = arith.constant 0 : i32
    %scan3A_21 = arith.constant 79 : i32
    %scan3A_22 = arith.addi %scan3A_20, %scan3A_21 : i32
    %scan3A_23 = arith.constant 1 : i32
    scf.for %scan3A_36 = %scan3A_20 to %scan3A_22 step %scan3A_23  : i32 {
      %dma_start3A = arith.constant 0 : i32
      %dma_start3A_37 = tpu.memref_slice %arg10[%scan3A_36, %dma_start3A] : memref<79x128xi32, #tpu.memory_space<vmem>> -> memref<1x128xi32, #tpu.memory_space<vmem>>
      %dma_start3A_38 = tpu.memref_squeeze %dma_start3A_37 : memref<1x128xi32, #tpu.memory_space<vmem>> -> memref<128xi32, #tpu.memory_space<vmem>>
      %dma_start3A_39 = arith.constant 0 : i32
      %dma_start3A_40 = arith.constant 0 : i32
      %dma_start3A_41 = tpu.memref_slice %arg4[%dma_start3A_39, %dma_start3A_40] : memref<10240x128xf32, #tpu.memory_space<hbm>> -> memref<10240x128xf32, #tpu.memory_space<hbm>>
      tpu.enqueue_indirect_dma source(%dma_start3A_41 : memref<10240x128xf32, #tpu.memory_space<hbm>>) target(%arg12 : memref<128x128xf32, #tpu.memory_space<vmem>>) offsets(%dma_start3A_38 : memref<128xi32, #tpu.memory_space<vmem>>) semaphore(%arg14 : memref<!tpu.dma_semaphore, #tpu.memory_space<semaphore_mem>>)
      %dma_wait3A = arith.constant 0 : i32
      %dma_wait3A_42 = tpu.memref_slice %arg10[%scan3A_36, %dma_wait3A] : memref<79x128xi32, #tpu.memory_space<vmem>> -> memref<1x128xi32, #tpu.memory_space<vmem>>
      %dma_wait3A_43 = tpu.memref_squeeze %dma_wait3A_42 : memref<1x128xi32, #tpu.memory_space<vmem>> -> memref<128xi32, #tpu.memory_space<vmem>>
      %dma_wait3A_44 = arith.constant 0 : i32
      %dma_wait3A_45 = arith.constant 0 : i32
      %dma_wait3A_46 = tpu.memref_slice %arg4[%dma_wait3A_44, %dma_wait3A_45] : memref<10240x128xf32, #tpu.memory_space<hbm>> -> memref<10240x128xf32, #tpu.memory_space<hbm>>
      tpu.wait_indirect_dma semaphore(%arg14 : memref<!tpu.dma_semaphore, #tpu.memory_space<semaphore_mem>>) src(%dma_wait3A_46 : memref<10240x128xf32, #tpu.memory_space<hbm>>) dst(%arg12 : memref<128x128xf32, #tpu.memory_space<vmem>>)
      "tpu.region"() ({
        %run_scoped3A_47 = tpu.sem_alloc : memref<!tpu.dma_semaphore, #tpu.memory_space<semaphore_mem>>
        %dma_start3A_48 = arith.constant 0 : i32
        %dma_start3A_49 = tpu.memref_slice %arg11[%scan3A_36, %dma_start3A_48] : memref<79x128xi32, #tpu.memory_space<vmem>> -> memref<1x128xi32, #tpu.memory_space<vmem>>
        %dma_start3A_50 = tpu.memref_squeeze %dma_start3A_49 : memref<1x128xi32, #tpu.memory_space<vmem>> -> memref<128xi32, #tpu.memory_space<vmem>>
        %dma_start3A_51 = arith.constant 0 : i32
        %dma_start3A_52 = arith.constant 0 : i32
        %dma_start3A_53 = tpu.memref_slice %arg13[%dma_start3A_51, %dma_start3A_52] : memref<10240x128xf32, #tpu.memory_space<vmem_shared>> -> memref<10240x128xf32, #tpu.memory_space<vmem_shared>>
        tpu.enqueue_indirect_dma source(%arg12 : memref<128x128xf32, #tpu.memory_space<vmem>>) target(%dma_start3A_53 : memref<10240x128xf32, #tpu.memory_space<vmem_shared>>) offsets(%dma_start3A_50 : memref<128xi32, #tpu.memory_space<vmem>>) semaphore(%run_scoped3A_47 : memref<!tpu.dma_semaphore, #tpu.memory_space<semaphore_mem>>) {add = true}
        %dma_wait3A_54 = arith.constant 0 : i32
        %dma_wait3A_55 = tpu.memref_slice %arg11[%scan3A_36, %dma_wait3A_54] : memref<79x128xi32, #tpu.memory_space<vmem>> -> memref<1x128xi32, #tpu.memory_space<vmem>>
        %dma_wait3A_56 = tpu.memref_squeeze %dma_wait3A_55 : memref<1x128xi32, #tpu.memory_space<vmem>> -> memref<128xi32, #tpu.memory_space<vmem>>
        %dma_wait3A_57 = arith.constant 0 : i32
        %dma_wait3A_58 = arith.constant 0 : i32
        %dma_wait3A_59 = tpu.memref_slice %arg13[%dma_wait3A_57, %dma_wait3A_58] : memref<10240x128xf32, #tpu.memory_space<vmem_shared>> -> memref<10240x128xf32, #tpu.memory_space<vmem_shared>>
        tpu.wait_indirect_dma semaphore(%run_scoped3A_47 : memref<!tpu.dma_semaphore, #tpu.memory_space<semaphore_mem>>) src(%arg12 : memref<128x128xf32, #tpu.memory_space<vmem>>) dst(%dma_wait3A_59 : memref<10240x128xf32, #tpu.memory_space<vmem_shared>>)
        tpu.yield
      }) : () -> ()
    }
    %scan3A_24 = arith.constant 79 : i32
    %barrier3A_25 = arith.constant 0 : index
    tpu.barrier barrier_id(%barrier3A_25)
    %run_scoped3A_26 = arith.constant 2 : i32
    "tpu.region"() ({
      %run_scoped3A_36 = tpu.sem_alloc : memref<!tpu.dma_semaphore, #tpu.memory_space<semaphore_mem>>
      %dma_start3A = arith.constant 0 : i32
      %dma_start3A_37 = tpu.memref_slice %arg9[%arg0, %run_scoped3A_26, %mul3A_2, %dma_start3A] : memref<2x4x10240x128xf32, #tpu.memory_space<hbm>> -> memref<1x1x640x128xf32, #tpu.memory_space<hbm>>
      %dma_start3A_38 = tpu.memref_squeeze %dma_start3A_37 : memref<1x1x640x128xf32, #tpu.memory_space<hbm>> -> memref<640x128xf32, #tpu.memory_space<hbm>>
      %dma_start3A_39 = arith.constant 0 : i32
      %dma_start3A_40 = tpu.memref_slice %arg13[%mul3A_2, %dma_start3A_39] : memref<10240x128xf32, #tpu.memory_space<vmem_shared>> -> memref<640x128xf32, #tpu.memory_space<vmem_shared>>
      tpu.enqueue_dma source(%dma_start3A_40 : memref<640x128xf32, #tpu.memory_space<vmem_shared>>) target(%dma_start3A_38 : memref<640x128xf32, #tpu.memory_space<hbm>>) target_semaphore(%run_scoped3A_36 : memref<!tpu.dma_semaphore, #tpu.memory_space<semaphore_mem>>)
      %dma_wait3A = arith.constant 0 : i32
      %dma_wait3A_41 = tpu.memref_slice %arg9[%arg0, %run_scoped3A_26, %mul3A_2, %dma_wait3A] : memref<2x4x10240x128xf32, #tpu.memory_space<hbm>> -> memref<1x1x640x128xf32, #tpu.memory_space<hbm>>
      %dma_wait3A_42 = tpu.memref_squeeze %dma_wait3A_41 : memref<1x1x640x128xf32, #tpu.memory_space<hbm>> -> memref<640x128xf32, #tpu.memory_space<hbm>>
      %dma_wait3A_43 = arith.constant 0 : i32
      %dma_wait3A_44 = tpu.memref_slice %arg13[%mul3A_2, %dma_wait3A_43] : memref<10240x128xf32, #tpu.memory_space<vmem_shared>> -> memref<640x128xf32, #tpu.memory_space<vmem_shared>>
      tpu.wait_dma2 semaphore(%run_scoped3A_36 : memref<!tpu.dma_semaphore, #tpu.memory_space<semaphore_mem>>) src(%dma_wait3A_44 : memref<640x128xf32, #tpu.memory_space<vmem_shared>>) dst(%dma_wait3A_42 : memref<640x128xf32, #tpu.memory_space<hbm>>)
      tpu.yield
    }) : () -> ()
    "tpu.region"() ({
      %run_scoped3A_36 = tpu.sem_alloc : memref<!tpu.dma_semaphore, #tpu.memory_space<semaphore_mem>>
      %dma_start3A = arith.constant 0 : i32
      %dma_start3A_37 = tpu.memref_slice %arg13[%mul3A_2, %dma_start3A] : memref<10240x128xf32, #tpu.memory_space<vmem_shared>> -> memref<640x128xf32, #tpu.memory_space<vmem_shared>>
      %dma_start3A_38 = arith.constant 0 : i32
      %dma_start3A_39 = tpu.memref_slice %arg8[%mul3A_2, %dma_start3A_38] : memref<10240x128xf32, #tpu.memory_space<hbm>> -> memref<640x128xf32, #tpu.memory_space<hbm>>
      tpu.enqueue_dma source(%dma_start3A_39 : memref<640x128xf32, #tpu.memory_space<hbm>>) target(%dma_start3A_37 : memref<640x128xf32, #tpu.memory_space<vmem_shared>>) target_semaphore(%run_scoped3A_36 : memref<!tpu.dma_semaphore, #tpu.memory_space<semaphore_mem>>)
      %dma_wait3A = arith.constant 0 : i32
      %dma_wait3A_40 = tpu.memref_slice %arg13[%mul3A_2, %dma_wait3A] : memref<10240x128xf32, #tpu.memory_space<vmem_shared>> -> memref<640x128xf32, #tpu.memory_space<vmem_shared>>
      %dma_wait3A_41 = arith.constant 0 : i32
      %dma_wait3A_42 = tpu.memref_slice %arg8[%mul3A_2, %dma_wait3A_41] : memref<10240x128xf32, #tpu.memory_space<hbm>> -> memref<640x128xf32, #tpu.memory_space<hbm>>
      tpu.wait_dma2 semaphore(%run_scoped3A_36 : memref<!tpu.dma_semaphore, #tpu.memory_space<semaphore_mem>>) src(%dma_wait3A_42 : memref<640x128xf32, #tpu.memory_space<hbm>>) dst(%dma_wait3A_40 : memref<640x128xf32, #tpu.memory_space<vmem_shared>>)
      tpu.yield
    }) : () -> ()
    %barrier3A_27 = arith.constant 0 : index
    tpu.barrier barrier_id(%barrier3A_27)
    %scan3A_28 = arith.constant 0 : i32
    %scan3A_29 = arith.constant 0 : i32
    %scan3A_30 = arith.constant 79 : i32
    %scan3A_31 = arith.addi %scan3A_29, %scan3A_30 : i32
    %scan3A_32 = arith.constant 1 : i32
    scf.for %scan3A_36 = %scan3A_29 to %scan3A_31 step %scan3A_32  : i32 {
      %dma_start3A = arith.constant 0 : i32
      %dma_start3A_37 = tpu.memref_slice %arg10[%scan3A_36, %dma_start3A] : memref<79x128xi32, #tpu.memory_space<vmem>> -> memref<1x128xi32, #tpu.memory_space<vmem>>
      %dma_start3A_38 = tpu.memref_squeeze %dma_start3A_37 : memref<1x128xi32, #tpu.memory_space<vmem>> -> memref<128xi32, #tpu.memory_space<vmem>>
      %dma_start3A_39 = arith.constant 0 : i32
      %dma_start3A_40 = arith.constant 0 : i32
      %dma_start3A_41 = tpu.memref_slice %arg5[%dma_start3A_39, %dma_start3A_40] : memref<10240x128xf32, #tpu.memory_space<hbm>> -> memref<10240x128xf32, #tpu.memory_space<hbm>>
      tpu.enqueue_indirect_dma source(%dma_start3A_41 : memref<10240x128xf32, #tpu.memory_space<hbm>>) target(%arg12 : memref<128x128xf32, #tpu.memory_space<vmem>>) offsets(%dma_start3A_38 : memref<128xi32, #tpu.memory_space<vmem>>) semaphore(%arg14 : memref<!tpu.dma_semaphore, #tpu.memory_space<semaphore_mem>>)
      %dma_wait3A = arith.constant 0 : i32
      %dma_wait3A_42 = tpu.memref_slice %arg10[%scan3A_36, %dma_wait3A] : memref<79x128xi32, #tpu.memory_space<vmem>> -> memref<1x128xi32, #tpu.memory_space<vmem>>
      %dma_wait3A_43 = tpu.memref_squeeze %dma_wait3A_42 : memref<1x128xi32, #tpu.memory_space<vmem>> -> memref<128xi32, #tpu.memory_space<vmem>>
      %dma_wait3A_44 = arith.constant 0 : i32
      %dma_wait3A_45 = arith.constant 0 : i32
      %dma_wait3A_46 = tpu.memref_slice %arg5[%dma_wait3A_44, %dma_wait3A_45] : memref<10240x128xf32, #tpu.memory_space<hbm>> -> memref<10240x128xf32, #tpu.memory_space<hbm>>
      tpu.wait_indirect_dma semaphore(%arg14 : memref<!tpu.dma_semaphore, #tpu.memory_space<semaphore_mem>>) src(%dma_wait3A_46 : memref<10240x128xf32, #tpu.memory_space<hbm>>) dst(%arg12 : memref<128x128xf32, #tpu.memory_space<vmem>>)
      "tpu.region"() ({
        %run_scoped3A_47 = tpu.sem_alloc : memref<!tpu.dma_semaphore, #tpu.memory_space<semaphore_mem>>
        %dma_start3A_48 = arith.constant 0 : i32
        %dma_start3A_49 = tpu.memref_slice %arg11[%scan3A_36, %dma_start3A_48] : memref<79x128xi32, #tpu.memory_space<vmem>> -> memref<1x128xi32, #tpu.memory_space<vmem>>
        %dma_start3A_50 = tpu.memref_squeeze %dma_start3A_49 : memref<1x128xi32, #tpu.memory_space<vmem>> -> memref<128xi32, #tpu.memory_space<vmem>>
        %dma_start3A_51 = arith.constant 0 : i32
        %dma_start3A_52 = arith.constant 0 : i32
        %dma_start3A_53 = tpu.memref_slice %arg13[%dma_start3A_51, %dma_start3A_52] : memref<10240x128xf32, #tpu.memory_space<vmem_shared>> -> memref<10240x128xf32, #tpu.memory_space<vmem_shared>>
        tpu.enqueue_indirect_dma source(%arg12 : memref<128x128xf32, #tpu.memory_space<vmem>>) target(%dma_start3A_53 : memref<10240x128xf32, #tpu.memory_space<vmem_shared>>) offsets(%dma_start3A_50 : memref<128xi32, #tpu.memory_space<vmem>>) semaphore(%run_scoped3A_47 : memref<!tpu.dma_semaphore, #tpu.memory_space<semaphore_mem>>) {add = true}
        %dma_wait3A_54 = arith.constant 0 : i32
        %dma_wait3A_55 = tpu.memref_slice %arg11[%scan3A_36, %dma_wait3A_54] : memref<79x128xi32, #tpu.memory_space<vmem>> -> memref<1x128xi32, #tpu.memory_space<vmem>>
        %dma_wait3A_56 = tpu.memref_squeeze %dma_wait3A_55 : memref<1x128xi32, #tpu.memory_space<vmem>> -> memref<128xi32, #tpu.memory_space<vmem>>
        %dma_wait3A_57 = arith.constant 0 : i32
        %dma_wait3A_58 = arith.constant 0 : i32
        %dma_wait3A_59 = tpu.memref_slice %arg13[%dma_wait3A_57, %dma_wait3A_58] : memref<10240x128xf32, #tpu.memory_space<vmem_shared>> -> memref<10240x128xf32, #tpu.memory_space<vmem_shared>>
        tpu.wait_indirect_dma semaphore(%run_scoped3A_47 : memref<!tpu.dma_semaphore, #tpu.memory_space<semaphore_mem>>) src(%arg12 : memref<128x128xf32, #tpu.memory_space<vmem>>) dst(%dma_wait3A_59 : memref<10240x128xf32, #tpu.memory_space<vmem_shared>>)
        tpu.yield
      }) : () -> ()
    }
    %scan3A_33 = arith.constant 79 : i32
    %barrier3A_34 = arith.constant 0 : index
    tpu.barrier barrier_id(%barrier3A_34)
    %run_scoped3A_35 = arith.constant 3 : i32
    "tpu.region"() ({
      %run_scoped3A_36 = tpu.sem_alloc : memref<!tpu.dma_semaphore, #tpu.memory_space<semaphore_mem>>
      %dma_start3A = arith.constant 0 : i32
      %dma_start3A_37 = tpu.memref_slice %arg9[%arg0, %run_scoped3A_35, %mul3A_2, %dma_start3A] : memref<2x4x10240x128xf32, #tpu.memory_space<hbm>> -> memref<1x1x640x128xf32, #tpu.memory_space<hbm>>
      %dma_start3A_38 = tpu.memref_squeeze %dma_start3A_37 : memref<1x1x640x128xf32, #tpu.memory_space<hbm>> -> memref<640x128xf32, #tpu.memory_space<hbm>>
      %dma_start3A_39 = arith.constant 0 : i32
      %dma_start3A_40 = tpu.memref_slice %arg13[%mul3A_2, %dma_start3A_39] : memref<10240x128xf32, #tpu.memory_space<vmem_shared>> -> memref<640x128xf32, #tpu.memory_space<vmem_shared>>
      tpu.enqueue_dma source(%dma_start3A_40 : memref<640x128xf32, #tpu.memory_space<vmem_shared>>) target(%dma_start3A_38 : memref<640x128xf32, #tpu.memory_space<hbm>>) target_semaphore(%run_scoped3A_36 : memref<!tpu.dma_semaphore, #tpu.memory_space<semaphore_mem>>)
      %dma_wait3A = arith.constant 0 : i32
      %dma_wait3A_41 = tpu.memref_slice %arg9[%arg0, %run_scoped3A_35, %mul3A_2, %dma_wait3A] : memref<2x4x10240x128xf32, #tpu.memory_space<hbm>> -> memref<1x1x640x128xf32, #tpu.memory_space<hbm>>
      %dma_wait3A_42 = tpu.memref_squeeze %dma_wait3A_41 : memref<1x1x640x128xf32, #tpu.memory_space<hbm>> -> memref<640x128xf32, #tpu.memory_space<hbm>>
      %dma_wait3A_43 = arith.constant 0 : i32
      %dma_wait3A_44 = tpu.memref_slice %arg13[%mul3A_2, %dma_wait3A_43] : memref<10240x128xf32, #tpu.memory_space<vmem_shared>> -> memref<640x128xf32, #tpu.memory_space<vmem_shared>>
      tpu.wait_dma2 semaphore(%run_scoped3A_36 : memref<!tpu.dma_semaphore, #tpu.memory_space<semaphore_mem>>) src(%dma_wait3A_44 : memref<640x128xf32, #tpu.memory_space<vmem_shared>>) dst(%dma_wait3A_42 : memref<640x128xf32, #tpu.memory_space<hbm>>)
      tpu.yield
    }) : () -> ()
    return
  }
}

module attributes {stable_mosaic.version = 14 : i64} {
  func.func @_tc1_body(%arg0: i32, %arg1: memref<2x512x128xf32, #tpu.memory_space<vmem>>, %arg2: memref<512x128xf32, #tpu.memory_space<vmem>>, %arg3: memref<512x128xf32, #tpu.memory_space<vmem>>, %arg4: memref<512x128xf32, #tpu.memory_space<vmem>>) attributes {dimension_semantics = [#tpu.dimension_semantics<arbitrary>], iteration_bounds = array<i64: 20>, scalar_prefetch = 0 : i64, scratch_operands = 0 : i64, tpu.core_type = #tpu.core_type<tc>, window_params = [{transform_indices = @transform_0, window_bounds = array<i64: 2, 512, 128>}, {transform_indices = @transform_1, window_bounds = array<i64: 512, 128>}, {transform_indices = @transform_2, window_bounds = array<i64: 512, 128>}, {transform_indices = @transform_3, window_bounds = array<i64: 512, 128>}]} {
    %get3A = arith.constant 0 : index
    %get3A_0 = arith.constant 0 : index
    %get3A_1 = arith.constant 0 : index
    %get3A_2 = vector.load %arg1[%get3A, %get3A_0, %get3A_1] : memref<2x512x128xf32, #tpu.memory_space<vmem>>, vector<1x512x1xf32>
    %get3A_3 = vector.shape_cast %get3A_2 : vector<1x512x1xf32> to vector<512x1xf32>
    %get3A_4 = arith.constant 1 : index
    %get3A_5 = arith.constant 0 : index
    %get3A_6 = arith.constant 0 : index
    %get3A_7 = vector.load %arg1[%get3A_4, %get3A_5, %get3A_6] : memref<2x512x128xf32, #tpu.memory_space<vmem>>, vector<1x512x1xf32>
    %get3A_8 = vector.shape_cast %get3A_7 : vector<1x512x1xf32> to vector<512x1xf32>
    %add3A = arith.addf %get3A_3, %get3A_8 : vector<512x1xf32>
    %add3A_9 = arith.constant 1.000000e+00 : f32
    %add3A_10 = vector.broadcast %add3A_9 : f32 to vector<512x1xf32>
    %add3A_11 = arith.addf %add3A, %add3A_10 : vector<512x1xf32>
    %rsqrt3A = math.rsqrt %add3A_11 : vector<512x1xf32>
    %get3A_12 = arith.constant 0 : index
    %get3A_13 = arith.constant 0 : index
    %get3A_14 = vector.load %arg2[%get3A_12, %get3A_13] : memref<512x128xf32, #tpu.memory_space<vmem>>, vector<512x128xf32>
    %mul3A = vector.broadcast %rsqrt3A : vector<512x1xf32> to vector<512x128xf32>
    %mul3A_15 = arith.mulf %get3A_14, %mul3A : vector<512x128xf32>
    %swap3A = arith.constant 0 : index
    %swap3A_16 = arith.constant 0 : index
    %swap3A_17 = vector.load %arg3[%swap3A, %swap3A_16] : memref<512x128xf32, #tpu.memory_space<vmem>>, vector<512x128xf32>
    tpu.vector_store %arg3[%swap3A, %swap3A_16], %mul3A_15 {strides = array<i32>} : memref<512x128xf32, #tpu.memory_space<vmem>>, vector<512x128xf32>,
    %broadcast_in_dim3A = vector.shape_cast %rsqrt3A : vector<512x1xf32> to vector<512x1xf32>
    %broadcast_in_dim3A_18 = vector.broadcast %broadcast_in_dim3A : vector<512x1xf32> to vector<512x128xf32>
    %swap3A_19 = arith.constant 0 : index
    %swap3A_20 = arith.constant 0 : index
    %swap3A_21 = vector.load %arg4[%swap3A_19, %swap3A_20] : memref<512x128xf32, #tpu.memory_space<vmem>>, vector<512x128xf32>
    tpu.vector_store %arg4[%swap3A_19, %swap3A_20], %broadcast_in_dim3A_18 {strides = array<i32>} : memref<512x128xf32, #tpu.memory_space<vmem>>, vector<512x128xf32>,
    return
  }
  func.func @transform_0(%arg0: i32) -> (i32, i32, i32) {
    %c0_i32 = arith.constant 0 : i32
    %c0_i32_0 = arith.constant 0 : i32
    %c0_i32_1 = arith.constant 0 : i32
    return %c0_i32, %arg0, %c0_i32_0 : i32, i32, i32
  }
  func.func @transform_1(%arg0: i32) -> (i32, i32) {
    %c0_i32 = arith.constant 0 : i32
    %c0_i32_0 = arith.constant 0 : i32
    return %arg0, %c0_i32 : i32, i32
  }
  func.func @transform_2(%arg0: i32) -> (i32, i32) {
    %c0_i32 = arith.constant 0 : i32
    %c0_i32_0 = arith.constant 0 : i32
    return %arg0, %c0_i32 : i32, i32
  }
  func.func @transform_3(%arg0: i32) -> (i32, i32) {
    %c0_i32 = arith.constant 0 : i32
    %c0_i32_0 = arith.constant 0 : i32
    return %arg0, %c0_i32 : i32, i32
  }
}

module attributes {stable_mosaic.version = 14 : i64} {
  func.func @_tc2_body(%arg0: i32, %arg1: i32, %arg2: memref<2x512x128xf32, #tpu.memory_space<vmem>>, %arg3: memref<512x128xf32, #tpu.memory_space<vmem>>, %arg4: memref<512x128xf32, #tpu.memory_space<vmem>>, %arg5: memref<1x128x256xf32, #tpu.memory_space<vmem>>, %arg6: memref<1x1x256xf32, #tpu.memory_space<vmem>>, %arg7: memref<1x256x128xf32, #tpu.memory_space<vmem>>, %arg8: memref<1x512x128xf32, #tpu.memory_space<vmem>>) attributes {dimension_semantics = [#tpu.dimension_semantics<arbitrary>, #tpu.dimension_semantics<arbitrary>], iteration_bounds = array<i64: 4, 20>, scalar_prefetch = 0 : i64, scratch_operands = 0 : i64, tpu.core_type = #tpu.core_type<tc>, window_params = [{transform_indices = @transform_0, window_bounds = array<i64: 2, 512, 128>}, {transform_indices = @transform_1, window_bounds = array<i64: 512, 128>}, {transform_indices = @transform_2, window_bounds = array<i64: 512, 128>}, {transform_indices = @transform_3, window_bounds = array<i64: 1, 128, 256>}, {transform_indices = @transform_4, window_bounds = array<i64: 1, 1, 256>}, {transform_indices = @transform_5, window_bounds = array<i64: 1, 256, 128>}, {transform_indices = @transform_6, window_bounds = array<i64: 1, 512, 128>}]} {
    %get3A = arith.constant 0 : index
    %get3A_0 = arith.constant 0 : index
    %get3A_1 = vector.load %arg4[%get3A, %get3A_0] : memref<512x128xf32, #tpu.memory_space<vmem>>, vector<512x128xf32>
    %get3A_2 = arith.constant 0 : index
    %get3A_3 = arith.constant 0 : index
    %get3A_4 = arith.constant 0 : index
    %get3A_5 = vector.load %arg2[%get3A_2, %get3A_3, %get3A_4] : memref<2x512x128xf32, #tpu.memory_space<vmem>>, vector<1x512x128xf32>
    %get3A_6 = vector.shape_cast %get3A_5 : vector<1x512x128xf32> to vector<512x128xf32>
    %get3A_7 = arith.constant 1 : index
    %get3A_8 = arith.constant 0 : index
    %get3A_9 = arith.constant 0 : index
    %get3A_10 = vector.load %arg2[%get3A_7, %get3A_8, %get3A_9] : memref<2x512x128xf32, #tpu.memory_space<vmem>>, vector<1x512x128xf32>
    %get3A_11 = vector.shape_cast %get3A_10 : vector<1x512x128xf32> to vector<512x128xf32>
    %add3A = arith.addf %get3A_6, %get3A_11 : vector<512x128xf32>
    %get3A_12 = arith.constant 0 : index
    %get3A_13 = arith.constant 0 : index
    %get3A_14 = vector.load %arg3[%get3A_12, %get3A_13] : memref<512x128xf32, #tpu.memory_space<vmem>>, vector<512x128xf32>
    %add3A_15 = arith.addf %add3A, %get3A_14 : vector<512x128xf32>
    %mul3A = arith.mulf %add3A_15, %get3A_1 : vector<512x128xf32>
    %get3A_16 = arith.constant 0 : index
    %get3A_17 = arith.constant 0 : index
    %get3A_18 = arith.constant 0 : index
    %get3A_19 = vector.load %arg5[%get3A_16, %get3A_17, %get3A_18] : memref<1x128x256xf32, #tpu.memory_space<vmem>>, vector<1x128x256xf32>
    %get3A_20 = vector.shape_cast %get3A_19 : vector<1x128x256xf32> to vector<128x256xf32>
    %dot_general3A = arith.constant dense<0.000000e+00> : vector<512x256xf32>
    %dot_general3A_21 = tpu.matmul %mul3A, %get3A_20, %dot_general3A {dimension_numbers = #tpu.dot_dimension_numbers<[1], [0], [0], [1], [0, 0, 1, 1], [], []>, precision = #tpu.contract_precision<fp32>, transpose_lhs_hint = false} : vector<512x128xf32>, vector<128x256xf32>, vector<512x256xf32> -> vector<512x256xf32>
    %get3A_22 = arith.constant 0 : index
    %get3A_23 = arith.constant 0 : index
    %get3A_24 = arith.constant 0 : index
    %get3A_25 = vector.load %arg6[%get3A_22, %get3A_23, %get3A_24] : memref<1x1x256xf32, #tpu.memory_space<vmem>>, vector<1x1x256xf32>
    %get3A_26 = vector.shape_cast %get3A_25 : vector<1x1x256xf32> to vector<1x256xf32>
    %add3A_27 = vector.broadcast %get3A_26 : vector<1x256xf32> to vector<512x256xf32>
    %add3A_28 = arith.addf %dot_general3A_21, %add3A_27 : vector<512x256xf32>
    %max3A = arith.constant 0.000000e+00 : f32
    %max3A_29 = vector.broadcast %max3A : f32 to vector<512x256xf32>
    %max3A_30 = arith.maximumf %add3A_28, %max3A_29 : vector<512x256xf32>
    %get3A_31 = arith.constant 0 : index
    %get3A_32 = arith.constant 0 : index
    %get3A_33 = arith.constant 0 : index
    %get3A_34 = vector.load %arg7[%get3A_31, %get3A_32, %get3A_33] : memref<1x256x128xf32, #tpu.memory_space<vmem>>, vector<1x256x128xf32>
    %get3A_35 = vector.shape_cast %get3A_34 : vector<1x256x128xf32> to vector<256x128xf32>
    %dot_general3A_36 = arith.constant dense<0.000000e+00> : vector<512x128xf32>
    %dot_general3A_37 = tpu.matmul %max3A_30, %get3A_35, %dot_general3A_36 {dimension_numbers = #tpu.dot_dimension_numbers<[1], [0], [0], [1], [0, 0, 1, 1], [], []>, precision = #tpu.contract_precision<fp32>, transpose_lhs_hint = false} : vector<512x256xf32>, vector<256x128xf32>, vector<512x128xf32> -> vector<512x128xf32>
    %mul3A_38 = arith.mulf %dot_general3A_37, %get3A_1 : vector<512x128xf32>
    %swap3A = arith.constant 0 : index
    %swap3A_39 = arith.constant 0 : index
    %swap3A_40 = arith.constant 0 : index
    %swap3A_41 = vector.load %arg8[%swap3A, %swap3A_39, %swap3A_40] : memref<1x512x128xf32, #tpu.memory_space<vmem>>, vector<1x512x128xf32>
    %swap3A_42 = vector.shape_cast %swap3A_41 : vector<1x512x128xf32> to vector<512x128xf32>
    %swap3A_43 = vector.shape_cast %mul3A_38 : vector<512x128xf32> to vector<1x512x128xf32>
    tpu.vector_store %arg8[%swap3A, %swap3A_39, %swap3A_40], %swap3A_43 {strides = array<i32>} : memref<1x512x128xf32, #tpu.memory_space<vmem>>, vector<1x512x128xf32>,
    return
  }
  func.func @transform_0(%arg0: i32, %arg1: i32) -> (i32, i32, i32) {
    %c0_i32 = arith.constant 0 : i32
    %c0_i32_0 = arith.constant 0 : i32
    %c0_i32_1 = arith.constant 0 : i32
    return %c0_i32, %arg1, %c0_i32_0 : i32, i32, i32
  }
  func.func @transform_1(%arg0: i32, %arg1: i32) -> (i32, i32) {
    %c0_i32 = arith.constant 0 : i32
    %c0_i32_0 = arith.constant 0 : i32
    return %arg1, %c0_i32 : i32, i32
  }
  func.func @transform_2(%arg0: i32, %arg1: i32) -> (i32, i32) {
    %c0_i32 = arith.constant 0 : i32
    %c0_i32_0 = arith.constant 0 : i32
    return %arg1, %c0_i32 : i32, i32
  }
  func.func @transform_3(%arg0: i32, %arg1: i32) -> (i32, i32, i32) {
    %c0_i32 = arith.constant 0 : i32
    %c0_i32_0 = arith.constant 0 : i32
    %c0_i32_1 = arith.constant 0 : i32
    return %arg0, %c0_i32, %c0_i32_0 : i32, i32, i32
  }
  func.func @transform_4(%arg0: i32, %arg1: i32) -> (i32, i32, i32) {
    %c0_i32 = arith.constant 0 : i32
    %c0_i32_0 = arith.constant 0 : i32
    %c0_i32_1 = arith.constant 0 : i32
    return %arg0, %c0_i32, %c0_i32_0 : i32, i32, i32
  }
  func.func @transform_5(%arg0: i32, %arg1: i32) -> (i32, i32, i32) {
    %c0_i32 = arith.constant 0 : i32
    %c0_i32_0 = arith.constant 0 : i32
    %c0_i32_1 = arith.constant 0 : i32
    return %arg0, %c0_i32, %c0_i32_0 : i32, i32, i32
  }
  func.func @transform_6(%arg0: i32, %arg1: i32) -> (i32, i32, i32) {
    %c0_i32 = arith.constant 0 : i32
    %c0_i32_0 = arith.constant 0 : i32
    return %arg0, %arg1, %c0_i32 : i32, i32, i32
  }
}

module attributes {stable_mosaic.version = 14 : i64} {
  func.func @_tc3_body(%arg0: i32, %arg1: i32, %arg2: memref<2x1x512x128xf32, #tpu.memory_space<vmem>>, %arg3: memref<1x512x128xf32, #tpu.memory_space<vmem>>, %arg4: memref<512x128xf32, #tpu.memory_space<vmem>>, %arg5: memref<1x1x128xf32, #tpu.memory_space<vmem>>, %arg6: memref<1x512x128xf32, #tpu.memory_space<vmem>>) attributes {dimension_semantics = [#tpu.dimension_semantics<arbitrary>, #tpu.dimension_semantics<arbitrary>], iteration_bounds = array<i64: 4, 20>, scalar_prefetch = 0 : i64, scratch_operands = 0 : i64, tpu.core_type = #tpu.core_type<tc>, window_params = [{transform_indices = @transform_0, window_bounds = array<i64: 2, 1, 512, 128>}, {transform_indices = @transform_1, window_bounds = array<i64: 1, 512, 128>}, {transform_indices = @transform_2, window_bounds = array<i64: 512, 128>}, {transform_indices = @transform_3, window_bounds = array<i64: 1, 1, 128>}, {transform_indices = @transform_4, window_bounds = array<i64: 1, 512, 128>}]} {
    %get3A = arith.constant 0 : index
    %get3A_0 = arith.constant 0 : index
    %get3A_1 = arith.constant 0 : index
    %get3A_2 = arith.constant 0 : index
    %get3A_3 = vector.load %arg2[%get3A, %get3A_0, %get3A_1, %get3A_2] : memref<2x1x512x128xf32, #tpu.memory_space<vmem>>, vector<1x1x512x128xf32>
    %get3A_4 = vector.shape_cast %get3A_3 : vector<1x1x512x128xf32> to vector<512x128xf32>
    %get3A_5 = arith.constant 1 : index
    %get3A_6 = arith.constant 0 : index
    %get3A_7 = arith.constant 0 : index
    %get3A_8 = arith.constant 0 : index
    %get3A_9 = vector.load %arg2[%get3A_5, %get3A_6, %get3A_7, %get3A_8] : memref<2x1x512x128xf32, #tpu.memory_space<vmem>>, vector<1x1x512x128xf32>
    %get3A_10 = vector.shape_cast %get3A_9 : vector<1x1x512x128xf32> to vector<512x128xf32>
    %add3A = arith.addf %get3A_4, %get3A_10 : vector<512x128xf32>
    %get3A_11 = arith.constant 0 : index
    %get3A_12 = arith.constant 0 : index
    %get3A_13 = arith.constant 0 : index
    %get3A_14 = vector.load %arg3[%get3A_11, %get3A_12, %get3A_13] : memref<1x512x128xf32, #tpu.memory_space<vmem>>, vector<1x512x128xf32>
    %get3A_15 = vector.shape_cast %get3A_14 : vector<1x512x128xf32> to vector<512x128xf32>
    %add3A_16 = arith.addf %add3A, %get3A_15 : vector<512x128xf32>
    %get3A_17 = arith.constant 0 : index
    %get3A_18 = arith.constant 0 : index
    %get3A_19 = vector.load %arg4[%get3A_17, %get3A_18] : memref<512x128xf32, #tpu.memory_space<vmem>>, vector<512x128xf32>
    %mul3A = arith.mulf %add3A_16, %get3A_19 : vector<512x128xf32>
    %get3A_20 = arith.constant 0 : index
    %get3A_21 = arith.constant 0 : index
    %get3A_22 = arith.constant 0 : index
    %get3A_23 = vector.load %arg5[%get3A_20, %get3A_21, %get3A_22] : memref<1x1x128xf32, #tpu.memory_space<vmem>>, vector<1x1x128xf32>
    %get3A_24 = vector.shape_cast %get3A_23 : vector<1x1x128xf32> to vector<1x128xf32>
    %add3A_25 = vector.broadcast %get3A_24 : vector<1x128xf32> to vector<512x128xf32>
    %add3A_26 = arith.addf %mul3A, %add3A_25 : vector<512x128xf32>
    %swap3A = arith.constant 0 : index
    %swap3A_27 = arith.constant 0 : index
    %swap3A_28 = arith.constant 0 : index
    %swap3A_29 = vector.load %arg6[%swap3A, %swap3A_27, %swap3A_28] : memref<1x512x128xf32, #tpu.memory_space<vmem>>, vector<1x512x128xf32>
    %swap3A_30 = vector.shape_cast %swap3A_29 : vector<1x512x128xf32> to vector<512x128xf32>
    %swap3A_31 = vector.shape_cast %add3A_26 : vector<512x128xf32> to vector<1x512x128xf32>
    tpu.vector_store %arg6[%swap3A, %swap3A_27, %swap3A_28], %swap3A_31 {strides = array<i32>} : memref<1x512x128xf32, #tpu.memory_space<vmem>>, vector<1x512x128xf32>,
    return
  }
  func.func @transform_0(%arg0: i32, %arg1: i32) -> (i32, i32, i32, i32) {
    %c0_i32 = arith.constant 0 : i32
    %c0_i32_0 = arith.constant 0 : i32
    %c0_i32_1 = arith.constant 0 : i32
    return %c0_i32, %arg0, %arg1, %c0_i32_0 : i32, i32, i32, i32
  }
  func.func @transform_1(%arg0: i32, %arg1: i32) -> (i32, i32, i32) {
    %c0_i32 = arith.constant 0 : i32
    %c0_i32_0 = arith.constant 0 : i32
    return %arg0, %arg1, %c0_i32 : i32, i32, i32
  }
  func.func @transform_2(%arg0: i32, %arg1: i32) -> (i32, i32) {
    %c0_i32 = arith.constant 0 : i32
    %c0_i32_0 = arith.constant 0 : i32
    return %arg1, %c0_i32 : i32, i32
  }
  func.func @transform_3(%arg0: i32, %arg1: i32) -> (i32, i32, i32) {
    %c0_i32 = arith.constant 0 : i32
    %c0_i32_0 = arith.constant 0 : i32
    %c0_i32_1 = arith.constant 0 : i32
    return %arg0, %c0_i32, %c0_i32_0 : i32, i32, i32
  }
  func.func @transform_4(%arg0: i32, %arg1: i32) -> (i32, i32, i32) {
    %c0_i32 = arith.constant 0 : i32
    %c0_i32_0 = arith.constant 0 : i32
    return %arg0, %arg1, %c0_i32 : i32, i32, i32
  }
}

</mosaic_0001>

<sc_bundles>
// kernel: kernel.11.cloned.1.call-start
scs
__scs_entry_jumppad:
0x0: {  	(pc) =	sbr.rel $0x88, $3  }
0x1: {  	(tag) =	ssettag $0x0;
	lr =	simm.s32 $0x1  }
0x2: {  	[smem:$0x3F9B] =	sst lr;
	_ =	strace $0xD0000000  }
0x3: {  	_ = 	snop  }
0x4: {  	_ = 	snop  }
0x5: {  	_ = 	snop  }
0x6: {  	_ = 	snop  }
0x7: {  	_ = 	snop  }
__scs_overlays_trampoline_lowered:
0x8: {  	[smem:$0x3FAA] =	sst s0  }
0x9: {  	[smem:$0x3FAB] =	sst s1  }
0xa: {  	[smem:$0x3FAC] =	sst s2  }
0xb: {  	[smem:$0x3FAD] =	sst s3  }
0xc: {  	[smem:$0x3FAE] =	sst s4  }
0xd: {  	[smem:$0x3FAF] =	sst s5  }
0xe: {  	[smem:$0x3FB0] =	sst s6  }
0xf: {  	[smem:$0x3FB1] =	sst s7  }
0x10: {  	[smem:$0x3FB2] =	sst s8  }
0x11: {  	[smem:$0x3FB3] =	sst s9;
	s0 =	simm.s32 @!p0 $0x0  }
0x12: {  	s1 =	sld [smem:$0x3F99];
	s0 =	simm.s32 @p0 $0x1  }
0x13: {  	[smem:$0x3FB4] =	sst s0;
	s0 =	simm.s32 @!p1 $0x0  }
0x14: {  	s2 =	sld [smem:$0x3F98];
	s0 =	simm.s32 @p1 $0x1  }
0x15: {  	[smem:$0x3FB5] =	sst s0;
	s0 =	simm.s32 @!p2 $0x0  }
0x16: {  	s3 =	sld [smem:$0x3FDB];
	s0 =	simm.s32 @p2 $0x1  }
0x17: {  	s4 =	simm.s32 $0x1BF5;
	[smem:$0x3FB7] =	sst s0  }
0x18: {  	s0 =	sld [smem:$0x3F9A];
	_ =	swait.ge [sflag:s4], $0x0  }
0x19: {  	s7 =	sld [smem:$0x3F9B]  }
0x1a: {  	s8 =	sadd.s32 $0xFFFFE003, lr  }
0x1b: {  	s9 =	sadd.s32 $0xFFFFFEF7, lr;
	s5 =	simm.s32 $0xFFFFFFFF;
	p2 =	slt.u32 s8, $0xFFFFF086  }
0x1c: {  	p1 =	slt.u32 s9, $0xF7A;
	s5 =	simm.s32 @!p2 $0x0  }
0x1d: {  	s5 =	simm.s32 @p1 $0x1;
	p0 =	seq.s32 s7, s2  }
0x1e: {  	s7 =	smul.u32 @!p0 $0xF7A, s2;
	p2 =	seq.s32 @!p0 s5, $0x0  }
0x1f: {  	s9 =	smul.u32 $0xF7A, s1;
	s8 =	simm.s32 @!p0 $0x1BF5;
	p2 =	por !p2, p0  }
0x20: {  	[sflag:s8] =	ssyncset.s32 @!p0 $0xFFFFF086;
	s6 =	sadd.s32 @!p0 s3, s7;
	s7 =	simm.s32 @!p0 $0x108  }
0x21: {  	s3 =	sadd.s32 s3, s9;
	s6 =	sadd.s32 @!p0 $0x88, s6;
	s7 =	simm.s32 @p2 $0x1082  }
0x22: {  	[simem:s7], [sflag:s8] =	dma.local @!p0 [hbm:s6], $0xF7A  }
0x23: {  	s9 =	sor.u32 $0xD0000000, s2;
	s6 =	simm.s32 $0x108;
	_ =	swait.ge @!p0 [sflag:s8], $0x0  }
0x24: {  	s3 =	sadd.s32 $0x88, s3;
	s6 =	simm.s32 @!p1 $0x1082;
	[sflag:s4] =	ssyncset.s32 $0xFFFFF086  }
0x25: {  	[simem:s6], [sflag:s4] =	dma.local [hbm:s3], $0xF7A  }
0x26: {  	[smem:$0x3F9B] =	sst s1;
	(tag) =	ssettag s2;
	_ =	strace s9  }
0x27: {  	s1 =	sld [smem:$0x3FAB]  }
0x28: {  	s2 =	sld [smem:$0x3FAC]  }
0x29: {  	s4 =	sld [smem:$0x3FAE]  }
0x2a: {  	p0 =	seq.s32 s5, $0x0;
	s5 =	sld [smem:$0x3FAF]  }
0x2b: {  	s6 =	sld [smem:$0x3FB0]  }
0x2c: {  	s7 =	sld [smem:$0x3FB1]  }
0x2d: {  	s3 =	simm.s32 $0x108;
	s8 =	sld [smem:$0x3FB2]  }
0x2e: {  	s3 =	simm.s32 @!p0 $0x1082;
	s9 =	sld [smem:$0x3FB3]  }
0x2f: {  	lr =	sadd.s32 s0, s3;
	s0 =	sld [smem:$0x3FAA]  }
0x30: {  	s3 =	sld [smem:$0x3FAD]  }
0x31: {  	[smem:$0x3FB6] =	sst s10  }
0x32: {  	s10 =	sld [smem:$0x3FB4];
	_ =	sdelay $0x3  }
0x33: {  	p0 =	seq.s32 s10, $0x1;
	s10 =	sld [smem:$0x3FB6];
	_ =	sdelay $0x3  }
0x34: {  	[smem:$0x3FB6] =	sst s10  }
0x35: {  	s10 =	sld [smem:$0x3FB5];
	_ =	sdelay $0x3  }
0x36: {  	p1 =	seq.s32 s10, $0x1;
	s10 =	sld [smem:$0x3FB6];
	_ =	sdelay $0x3  }
0x37: {  	[smem:$0x3FB6] =	sst s10  }
0x38: {  	s10 =	sld [smem:$0x3FB7]  }
0x39: {  	_ = 	snop;
	(pc) =	sbr.ind lr, $3  }
0x3a: {  	_ = 	snop  }
0x3b: {  	_ = 	snop  }
0x3c: {  	p2 =	seq.s32 s10, $0x1;
	s10 =	sld [smem:$0x3FB6]  }
0x3d: {  	_ =	shalt  }
0x3e: {  	_ =	shalt  }
0x3f: {  	_ =	shalt  }
0x40: {  	_ =	shalt  }
0x41: {  	_ =	shalt  }
0x42: {  	_ =	shalt  }
0x43: {  	_ =	shalt  }
0x44: {  	_ =	shalt  }
0x45: {  	_ =	shalt  }
0x46: {  	_ =	shalt  }
0x47: {  	_ =	shalt  }
0x48: {  	_ =	shalt  }
0x49: {  	_ =	shalt  }
0x4a: {  	_ =	shalt  }
0x4b: {  	_ =	shalt  }
0x4c: {  	_ =	shalt  }
0x4d: {  	_ =	shalt  }
0x4e: {  	_ =	shalt  }
0x4f: {  	_ =	shalt  }
0x50: {  	_ =	shalt  }
0x51: {  	_ =	shalt  }
0x52: {  	_ =	shalt  }
0x53: {  	_ =	shalt  }
0x54: {  	_ =	shalt  }
0x55: {  	_ =	shalt  }
0x56: {  	_ =	shalt  }
0x57: {  	_ =	shalt  }
0x58: {  	_ =	shalt  }
0x59: {  	_ =	shalt  }
0x5a: {  	_ =	shalt  }
0x5b: {  	_ =	shalt  }
0x5c: {  	_ =	shalt  }
0x5d: {  	_ =	shalt  }
0x5e: {  	_ =	shalt  }
0x5f: {  	_ =	shalt  }
0x60: {  	_ =	shalt  }
0x61: {  	_ =	shalt  }
0x62: {  	_ =	shalt  }
0x63: {  	_ =	shalt  }
0x64: {  	_ =	shalt  }
0x65: {  	_ =	shalt  }
0x66: {  	_ =	shalt  }
0x67: {  	_ =	shalt  }
0x68: {  	_ =	shalt  }
0x69: {  	_ =	shalt  }
0x6a: {  	_ =	shalt  }
0x6b: {  	_ =	shalt  }
0x6c: {  	_ =	shalt  }
0x6d: {  	_ =	shalt  }
0x6e: {  	_ =	shalt  }
0x6f: {  	_ =	shalt  }
0x70: {  	_ =	shalt  }
0x71: {  	_ =	shalt  }
0x72: {  	_ =	shalt  }
0x73: {  	_ =	shalt  }
0x74: {  	_ =	shalt  }
0x75: {  	_ =	shalt  }
0x76: {  	_ =	shalt  }
0x77: {  	_ =	shalt  }
0x78: {  	_ =	shalt  }
0x79: {  	_ =	shalt  }
0x7a: {  	_ =	shalt  }
0x7b: {  	_ =	shalt  }
0x7c: {  	_ =	shalt  }
0x7d: {  	_ =	shalt  }
0x7e: {  	_ =	shalt  }
0x7f: {  	_ =	shalt  }
0x80: {  	_ =	shalt  }
0x81: {  	_ =	shalt  }
0x82: {  	_ =	shalt  }
0x83: {  	_ =	shalt  }
0x84: {  	_ =	shalt  }
0x85: {  	_ =	shalt  }
0x86: {  	_ =	shalt  }
0x87: {  	_ =	shalt  }
.Lfunc_end0:
.L_simem_size_0:
called_computation.1_lowered:
.L_overlay_start_0:
0x88: {  	s2 =	sld [smem:$0x3FD9]  }
0x89: {  	s3 =	sld [smem:$0x3FFE];
	_ =	sdelay $0x1  }
0x8a: {  	s1 =	srdreg.scid  }
0x8b: {  	s0 =	sand.u32 $0x1, s1  }
0x8c: {  	s17 =	sshll.u32 s0, $0xA;
	s2 =	sadd.s32 s3, s2  }
0x8d: {  	s2 =	sadd.s32 s2, s17  }
0x8e: {  	[smem:$0x3FC2] =	sst s2  }
0x8f: {  	_ = 	snop  }
0x90: {  	s2 =	sld [smem:$0x3FD0];
	(tm) =	ssettm $0x1  }
0x91: {  	s18 =	sld [smem:$0x3FFB];
	_ =	sdelay $0x3  }
0x92: {  	_ =	strace s18  }
0x93: {  	s3 =	sld [smem:$0x3FFC];
	_ =	sdelay $0x3  }
0x94: {  	_ =	strace s3  }
0x95: {  	s3 =	sld [smem:$0x3FFD];
	_ =	sdelay $0x3  }
0x96: {  	_ =	strace s3  }
0x97: {  	_ =	strace $0x8FFFFFFF  }
0x98: {  	s19 =	sld [smem:$0x3FDB];
	_ =	sdelay $0x1  }
0x99: {  	s4 =	simm.s32 $_scs_section_size  }
0x9a: {  	s5 =	simm.s32 $_size__tile_overlayer_lowered;
	s6 =	simm.s32 $_tile_overlayer_lowered  }
0x9b: {  	s22 =	simm.s32 $0x1BFF;
	s21 =	sshll.u32 s6, $0x1;
	s3 =	sadd.s32 s4, s19  }
0x9c: {  	s7 =	simm.s32 $0x0;
	s20 =	sshll.u32 s5, $0x1;
	s5 =	sadd.s32 s21, s3  }
0x9d: {  	[timem:s7], [sflag:s22] =	dma.local [hbm:s5], s20  }
0x9e: {  	_ =	swait.ge [sflag:s22], s20  }
0x9f: {  	s4 =	ssub.s32 $0x0, s20;
	[sflag:s22] =	ssyncset.done $0x0  }
0xa0: {  	[sflag:s22] =	ssyncadd.s32 s4;
	_ =	sdelay $0x1  }
0xa1: {  	s23 =	simm.s32 $0x1B8B  }
0xa2: {  	_ =	swait.ge [sflag:s23], $0x1  }
0xa3: {  	[sflag:s23] =	ssyncset.done $0x0  }
0xa4: {  	s25 =	simm.s32 $0x1B8E;
	s24 =	sld [smem:$0x3FFE];
	[sflag:s23] =	ssyncadd.s32 $0xFFFFFFFF  }
0xa5: {  	s26 =	simm.s32 $execute0_lowered;
	[smem:$0x3FD2] =	sst s25  }
0xa6: {  	s5 =	sshll.u32 s26, $0x1;
	_ =	strace $0x80000049;
	[dreg:$0x1] =	wrdreg $0xFFFFFFFF  }
0xa7: {  	s28 =	simm.s32 $_size_execute0_lowered;
	s3 =	sadd.s32 s3, s5;
	[dreg:$0x0] =	wrdreg $0x0  }
0xa8: {  	s5 =	sshll.u32 s28, $0x1;
	[dreg:$0x2] =	wrdreg s3  }
0xa9: {  	[dreg:$0x3] =	wrdreg s5  }
0xaa: {  	[dreg:$0x4] =	wrdreg $0xC0  }
0xab: {  	_ =	task [dreg:s7], $0x5FFFF  }
0xac: {  	[dreg:$0x1] =	wrdreg $0xFFFFFFFF  }
0xad: {  	[dreg:$0x0] =	wrdreg $0x60  }
0xae: {  	[dreg:$0x2] =	wrdreg s24  }
0xaf: {  	[dreg:$0x3] =	wrdreg s2  }
0xb0: {  	[dreg:$0x4] =	wrdreg $0x90000  }
0xb1: {  	[dreg:$0x5] =	wrdreg $0x9  }
0xb2: {  	_ =	task.clear_ibuf [dreg:s7], $0x6FFFF;
	_ =	strace $0x90000049  }
0xb3: {  	s29 =	simm.s32 $0x9;
	_ =	strace $0x8000004B  }
0xb4: {  	_ =	swait.ge [sflag:s29], $0x1  }
0xb5: {  	[sflag:s29] =	ssyncadd.s32 $0xFFFFFFFF  }
0xb6: {  	_ =	strace $0x9000004B  }
0xb7: {  	_ =	sfence  }
0xb8: {  	s30 =	sld [smem:$0x0];
	_ =	sdelay $0x2  }
0xb9: {  	s31 =	sshll.u32 s1, $0xD;
	s1 =	sshrl.u32 s1, $0x2  }
0xba: {  	s3 =	sand.u32 $0x4000, s31;
	s1 =	sadd.s32 s1, s30  }
0xbb: {  	s0 =	sor.u32 s3, s0;
	s1 =	sshll.u32 s1, $0x11  }
0xbc: {  	s0 =	sor.u32 s1, s0  }
0xbd: {  	s0 =	sadd.s32 $0x8F2B, s0  }
0xbe: {  	[sflag:s0] =	ssyncadd.remote.s32 $0x1  }
0xbf: {  	_ =	sfence.sel $0xFFFF  }
0xc0: {  	[dreg:$0x0] =	wrdreg $0xFFFFFFFF;
	(pc) =	sbr.abs _section_cstart, $3  }
0xc1: {  	[dreg:$0x1] =	wrdreg $0xFFFFFFFF  }
0xc2: {  	_ =	task.clear_ibuf [dreg:s7], $0x2FFFF;
	_ =	strace $0x9FFFFFFF  }
0xc3: {  	(tm) =	ssettm $0x7FFFFFFF  }
tec
execute0_lowered:
.L_overlay_start_1:
0x0: {  	(tag) =	ssettag $0x1  }
0x1: {  	s5 =	rddreg [dreg:$0x0]  }
0x2: {  	s8 =	rddreg [dreg:$0x1];
	s1 =	srdreg.scid  }
0x3: {  	s0 =	stileid.u32;
	s2 =	rddreg [dreg:$0x2]  }
0x4: {  	s3 =	simm.s32 $0x0;
	s14 =	simm.s32 $0x80;
	s15 =	simm.s32 $0x5000  }
0x5: {  	s16 =	simm.s32 $0x1;
	s17 =	simm.s32 $0x0;
	s6 =	sand.u32 $0x1, s1  }
0x6: {  	s4 =	sshll.u32 s0, $0x1;
	s1 =	rddreg [dreg:$0x3];
	s9 =	smul.u32 $0x14000, s0  }
0x7: {  	[smem:$0x7FF] =	sst s3;
	s11 =	smul.u32 $0x50000, s0;
	s31 =	sshll.u32 s0, $0x6  }
0x8: {  	s4 =	sor.u32 s6, s4;
	s10 =	ssub.s32 $0x2, s6;
	s6 =	smul.u32 $0x140000, s6  }
0x9: {  	_ =	strace $0x8000004A;
	s7 =	smul.u32 $0x500, s4;
	s4 =	sadd.s32 $0x3E600, s5  }
0xa: {  	s12 =	sshrl.u32 s9, $0x3;
	s13 =	sshrl.u32 s10, $0x1;
	s11 =	sshrl.u32 s11, $0x2  }
0xb: {  	s12 =	sadd.s32 s12, s5;
	s10 =	ssub.s32 s10, s13;
	s9 =	sadd.s32 s9, s6  }
0xc: {  	s30 =	sadd.s32 s11, s2;
	s11 =	simm.s32 $0x2800;
	s7 =	sadd.s32 s7, s5  }
0xd: {  	s9 =	sshrl.u32 s9, $0x3;
	s13 =	sshrl.u32 s30, $0x3;
	s5 =	sadd.s32 $0x34600, s7  }
0xe: {  	s6 =	sadd.s32 $0x1E00, s7;
	s7 =	sadd.s32 $0xC600, s12;
	s8 =	sadd.s32 s8, s9  }
0xf: {  	s9 =	smax.u32 s10, $0x1;
	s10 =	simm.s32 $0x2;
	s12 =	sor.u32 $0x1C02, s31  }
.LBB2_1:
0x10: {  	[tilespmem:s3], [sflag:$0x2] =	stream.linear.gather [hbm4b:s5+s3], $0x2780, $0x38;
	[tilespmem:$0x1D000] =	vst v63  }
0x11: {  	_ =	swait.ge [sflag:s10], $0x2780  }
0x12: {  	[sflag:s10] =	ssyncset.done $0x0  }
0x13: {  	[sflag:s10] =	ssyncadd.s32 $0xFFFFD880  }
0x14: {  	[tilespmem:s11], [sflag:$0x2] =	stream.linear.gather [hbm4b:s6+s3], $0x2780, $0x38;
	[tilespmem:$0x1D000] =	vst v63  }
0x15: {  	_ =	swait.ge [sflag:s10], $0x2780  }
0x16: {  	[sflag:s10] =	ssyncset.done $0x0  }
0x17: {  	[sflag:s10] =	ssyncadd.s32 $0xFFFFD880  }
0x18: {  	[spmem:s13], [sflag:s12] =	dma.local [hbm:s7], $0x2800  }
0x19: {  	_ =	swait.ge [sflag:s10], $0x2800  }
0x1a: {  	[sflag:s10] =	ssyncset.done $0x0  }
0x1b: {  	[sflag:s10] =	ssyncadd.s32 $0xFFFFD800  }
0x1c: {  	s18 =	simm.s32 $0x0;
	[bflag:$0x0] =	sbarrier.arrive $0xFFFF  }
0x1d: {  	[tilespmem:s15], [sflag:$0x1] =	stream.indirect.gather [hbm4b:s4+s14], $0x80, s18, s14, $0xb8;
	[tilespmem:$0x1D000] =	vst v63  }
0x1e: {  	_ =	swait.ge [sflag:s16], $0x4000  }
0x1f: {  	[sflag:s16] =	ssyncset.done $0x0  }
0x20: {  	s31 =	simm.s32 $0x2800;
	[sflag:s16] =	ssyncadd.s32 $0xFFFFC000  }
0x21: {  	[spmem:s2] =	stream.indirect.scatter.add.f32 [tilespmem:s15], [sflag:$0x2], $0x80, s31, s14, $0xb8;
	[tilespmem:$0x1D000] =	vst v63  }
0x22: {  	_ =	swait.ge [sflag:s10], $0x4000  }
0x23: {  	s19 =	simm.s32 $0x400;
	s18 =	simm.s32 $0x200;
	[sflag:s10] =	ssyncset.done $0x0  }
.LBB2_2:
0x24: {  	s20 =	sshra.s32 s18, $0x2  }
0x25: {  	[sflag:s10] =	ssyncadd.s32 $0xFFFFC000;
	s18 =	smov.u32 s19;
	s21 =	sadd.s32 $0x200, s19  }
0x26: {  	[tilespmem:s15], [sflag:$0x1] =	stream.indirect.gather [hbm4b:s4+s14], $0x80, s20, s14, $0xb8;
	[tilespmem:$0x1D000] =	vst v63  }
0x27: {  	p0 =	sne.s32 s19, $0x9C00;
	_ =	swait.ge [sflag:s16], $0x4000  }
.Ltmp0:
0x28: {  	[sflag:s16] =	ssyncset.done $0x0;
	(pc) =	sbr.rel @p0 .LBB2_2-.Ltmp0, $4  }
0x29: {  	s19 =	sadd.s32 $0x2800, s20;
	[sflag:s16] =	ssyncadd.s32 $0xFFFFC000  }
0x2a: {  	[spmem:s2] =	stream.indirect.scatter.add.f32 [tilespmem:s15], [sflag:$0x2], $0x80, s19, s14, $0xb8;
	[tilespmem:$0x1D000] =	vst v63  }
0x2b: {  	_ =	swait.ge [sflag:s10], $0x4000  }
0x2c: {  	s19 =	smov.u32 s21;
	[sflag:s10] =	ssyncset.done $0x0  }
0x2d: {  	s18 =	sshra.s32 s18, $0x2;
	[sflag:s10] =	ssyncadd.s32 $0xFFFFC000  }
0x2e: {  	[tilespmem:s15], [sflag:$0x1] =	stream.indirect.gather [hbm4b:s4+s14], $0x80, s18, s14, $0xb8;
	[tilespmem:$0x1D000] =	vst v63  }
0x2f: {  	_ =	swait.ge [sflag:s16], $0x4000  }
0x30: {  	[sflag:s16] =	ssyncset.done $0x0  }
0x31: {  	s18 =	sadd.s32 $0x2800, s18;
	[sflag:s16] =	ssyncadd.s32 $0xFFFFC000  }
0x32: {  	[spmem:s2] =	stream.indirect.scatter.add.f32 [tilespmem:s15], [sflag:$0x2], $0x80, s18, s14, $0xb8;
	[tilespmem:$0x1D000] =	vst v63  }
0x33: {  	_ =	swait.ge [sflag:s10], $0x4000  }
0x34: {  	s17 =	sadd.s32 $0x1, s17;
	[sflag:s10] =	ssyncset.done $0x0  }
0x35: {  	p0 =	sne.s32 s17, s9;
	[sflag:s10] =	ssyncadd.s32 $0xFFFFC000  }
.Ltmp1:
0x36: {  	[bflag:$0x0] =	sbarrier.arrive $0xFFFF;
	(pc) =	sbr.rel @p0 .LBB2_1-.Ltmp1, $4  }
0x37: {  	[hbm:s8], [sflag:s12] =	dma.local [spmem:s13], $0x2800  }
0x38: {  	_ =	swait.ge [sflag:s10], $0x2800  }
0x39: {  	[sflag:s10] =	ssyncset.done $0x0  }
0x3a: {  	[sflag:s10] =	ssyncadd.s32 $0xFFFFD800  }
0x3b: {  	_ =	sfence.sel $0x180000  }
0x3c: {  	[bflag:$0x0] =	sbarrier.arrive $0xFFFF  }
0x3d: {  	p0 =	sne.s32 s0, $0x0;
	_ =	strace $0x9000004A  }
0x3e: {  	s0 =	sadd.s32 @!p0 $0x100000, s1;
	[bflag:$0x2] =	sbarrier.arrive $0xFFFF  }
0x3f: {  	[sflag:s0] =	ssyncadd.tile.s32 @!p0 $0x1;
	_ =	shalt  }
.Lfunc_end2:
_tile_overlayer_lowered:
.L_overlay_start_2:
0x40: {  	(tag) =	ssettag $0x2  }
0x41: {  	s0 =	rddreg [dreg:$0x0];
	s2 =	stileid.u32  }
0x42: {  	s1 =	rddreg [dreg:$0x1];
	p0 =	sne.s32 s2, $0x0  }
0x43: {  	s3 =	rddreg [dreg:$0x2];
	[bflag:$0x3] =	sbarrier.arrive $0xFFFF;
	s2 =	simm.s32 @!p0 $0x1C02  }
0x44: {  	[timem:s3], [sflag:s2] =	dma.local @!p0 [hbm:s0], s1  }
0x45: {  	s0 =	simm.s32 @!p0 $0x2  }
0x46: {  	_ =	swait.ge @!p0 [sflag:s0], s1  }
0x47: {  	s1 =	ssub.s32 @!p0 $0x0, s1;
	[sflag:s0] =	ssyncset.done @!p0 $0x0  }
0x48: {  	[sflag:s0] =	ssyncadd.s32 @!p0 s1  }
0x49: {  	[bflag:$0x3] =	sbarrier.arrive $0xFFFF  }
0x4a: {  	_ =	shalt  }

// kernel: kernel.14.cloned.1.call-start
scs
__scs_entry_jumppad:
0x0: {  	(pc) =	sbr.rel $0x88, $3  }
0x1: {  	(tag) =	ssettag $0x0;
	lr =	simm.s32 $0x1  }
0x2: {  	[smem:$0x3F9B] =	sst lr;
	_ =	strace $0xD0000000  }
0x3: {  	_ = 	snop  }
0x4: {  	_ = 	snop  }
0x5: {  	_ = 	snop  }
0x6: {  	_ = 	snop  }
0x7: {  	_ = 	snop  }
__scs_overlays_trampoline_lowered:
0x8: {  	[smem:$0x3FAA] =	sst s0  }
0x9: {  	[smem:$0x3FAB] =	sst s1  }
0xa: {  	[smem:$0x3FAC] =	sst s2  }
0xb: {  	[smem:$0x3FAD] =	sst s3  }
0xc: {  	[smem:$0x3FAE] =	sst s4  }
0xd: {  	[smem:$0x3FAF] =	sst s5  }
0xe: {  	[smem:$0x3FB0] =	sst s6  }
0xf: {  	[smem:$0x3FB1] =	sst s7  }
0x10: {  	[smem:$0x3FB2] =	sst s8  }
0x11: {  	[smem:$0x3FB3] =	sst s9;
	s0 =	simm.s32 @!p0 $0x0  }
0x12: {  	s1 =	sld [smem:$0x3F99];
	s0 =	simm.s32 @p0 $0x1  }
0x13: {  	[smem:$0x3FB4] =	sst s0;
	s0 =	simm.s32 @!p1 $0x0  }
0x14: {  	s2 =	sld [smem:$0x3F98];
	s0 =	simm.s32 @p1 $0x1  }
0x15: {  	[smem:$0x3FB5] =	sst s0;
	s0 =	simm.s32 @!p2 $0x0  }
0x16: {  	s3 =	sld [smem:$0x3FDB];
	s0 =	simm.s32 @p2 $0x1  }
0x17: {  	s4 =	simm.s32 $0x1BF5;
	[smem:$0x3FB7] =	sst s0  }
0x18: {  	s0 =	sld [smem:$0x3F9A];
	_ =	swait.ge [sflag:s4], $0x0  }
0x19: {  	s7 =	sld [smem:$0x3F9B]  }
0x1a: {  	s8 =	sadd.s32 $0xFFFFE003, lr  }
0x1b: {  	s9 =	sadd.s32 $0xFFFFFEF7, lr;
	s5 =	simm.s32 $0xFFFFFFFF;
	p2 =	slt.u32 s8, $0xFFFFF086  }
0x1c: {  	p1 =	slt.u32 s9, $0xF7A;
	s5 =	simm.s32 @!p2 $0x0  }
0x1d: {  	s5 =	simm.s32 @p1 $0x1;
	p0 =	seq.s32 s7, s2  }
0x1e: {  	s7 =	smul.u32 @!p0 $0xF7A, s2;
	p2 =	seq.s32 @!p0 s5, $0x0  }
0x1f: {  	s9 =	smul.u32 $0xF7A, s1;
	s8 =	simm.s32 @!p0 $0x1BF5;
	p2 =	por !p2, p0  }
0x20: {  	[sflag:s8] =	ssyncset.s32 @!p0 $0xFFFFF086;
	s6 =	sadd.s32 @!p0 s3, s7;
	s7 =	simm.s32 @!p0 $0x108  }
0x21: {  	s3 =	sadd.s32 s3, s9;
	s6 =	sadd.s32 @!p0 $0x88, s6;
	s7 =	simm.s32 @p2 $0x1082  }
0x22: {  	[simem:s7], [sflag:s8] =	dma.local @!p0 [hbm:s6], $0xF7A  }
0x23: {  	s9 =	sor.u32 $0xD0000000, s2;
	s6 =	simm.s32 $0x108;
	_ =	swait.ge @!p0 [sflag:s8], $0x0  }
0x24: {  	s3 =	sadd.s32 $0x88, s3;
	s6 =	simm.s32 @!p1 $0x1082;
	[sflag:s4] =	ssyncset.s32 $0xFFFFF086  }
0x25: {  	[simem:s6], [sflag:s4] =	dma.local [hbm:s3], $0xF7A  }
0x26: {  	[smem:$0x3F9B] =	sst s1;
	(tag) =	ssettag s2;
	_ =	strace s9  }
0x27: {  	s1 =	sld [smem:$0x3FAB]  }
0x28: {  	s2 =	sld [smem:$0x3FAC]  }
0x29: {  	s4 =	sld [smem:$0x3FAE]  }
0x2a: {  	p0 =	seq.s32 s5, $0x0;
	s5 =	sld [smem:$0x3FAF]  }
0x2b: {  	s6 =	sld [smem:$0x3FB0]  }
0x2c: {  	s7 =	sld [smem:$0x3FB1]  }
0x2d: {  	s3 =	simm.s32 $0x108;
	s8 =	sld [smem:$0x3FB2]  }
0x2e: {  	s3 =	simm.s32 @!p0 $0x1082;
	s9 =	sld [smem:$0x3FB3]  }
0x2f: {  	lr =	sadd.s32 s0, s3;
	s0 =	sld [smem:$0x3FAA]  }
0x30: {  	s3 =	sld [smem:$0x3FAD]  }
0x31: {  	[smem:$0x3FB6] =	sst s10  }
0x32: {  	s10 =	sld [smem:$0x3FB4];
	_ =	sdelay $0x3  }
0x33: {  	p0 =	seq.s32 s10, $0x1;
	s10 =	sld [smem:$0x3FB6];
	_ =	sdelay $0x3  }
0x34: {  	[smem:$0x3FB6] =	sst s10  }
0x35: {  	s10 =	sld [smem:$0x3FB5];
	_ =	sdelay $0x3  }
0x36: {  	p1 =	seq.s32 s10, $0x1;
	s10 =	sld [smem:$0x3FB6];
	_ =	sdelay $0x3  }
0x37: {  	[smem:$0x3FB6] =	sst s10  }
0x38: {  	s10 =	sld [smem:$0x3FB7]  }
0x39: {  	_ = 	snop;
	(pc) =	sbr.ind lr, $3  }
0x3a: {  	_ = 	snop  }
0x3b: {  	_ = 	snop  }
0x3c: {  	p2 =	seq.s32 s10, $0x1;
	s10 =	sld [smem:$0x3FB6]  }
0x3d: {  	_ =	shalt  }
0x3e: {  	_ =	shalt  }
0x3f: {  	_ =	shalt  }
0x40: {  	_ =	shalt  }
0x41: {  	_ =	shalt  }
0x42: {  	_ =	shalt  }
0x43: {  	_ =	shalt  }
0x44: {  	_ =	shalt  }
0x45: {  	_ =	shalt  }
0x46: {  	_ =	shalt  }
0x47: {  	_ =	shalt  }
0x48: {  	_ =	shalt  }
0x49: {  	_ =	shalt  }
0x4a: {  	_ =	shalt  }
0x4b: {  	_ =	shalt  }
0x4c: {  	_ =	shalt  }
0x4d: {  	_ =	shalt  }
0x4e: {  	_ =	shalt  }
0x4f: {  	_ =	shalt  }
0x50: {  	_ =	shalt  }
0x51: {  	_ =	shalt  }
0x52: {  	_ =	shalt  }
0x53: {  	_ =	shalt  }
0x54: {  	_ =	shalt  }
0x55: {  	_ =	shalt  }
0x56: {  	_ =	shalt  }
0x57: {  	_ =	shalt  }
0x58: {  	_ =	shalt  }
0x59: {  	_ =	shalt  }
0x5a: {  	_ =	shalt  }
0x5b: {  	_ =	shalt  }
0x5c: {  	_ =	shalt  }
0x5d: {  	_ =	shalt  }
0x5e: {  	_ =	shalt  }
0x5f: {  	_ =	shalt  }
0x60: {  	_ =	shalt  }
0x61: {  	_ =	shalt  }
0x62: {  	_ =	shalt  }
0x63: {  	_ =	shalt  }
0x64: {  	_ =	shalt  }
0x65: {  	_ =	shalt  }
0x66: {  	_ =	shalt  }
0x67: {  	_ =	shalt  }
0x68: {  	_ =	shalt  }
0x69: {  	_ =	shalt  }
0x6a: {  	_ =	shalt  }
0x6b: {  	_ =	shalt  }
0x6c: {  	_ =	shalt  }
0x6d: {  	_ =	shalt  }
0x6e: {  	_ =	shalt  }
0x6f: {  	_ =	shalt  }
0x70: {  	_ =	shalt  }
0x71: {  	_ =	shalt  }
0x72: {  	_ =	shalt  }
0x73: {  	_ =	shalt  }
0x74: {  	_ =	shalt  }
0x75: {  	_ =	shalt  }
0x76: {  	_ =	shalt  }
0x77: {  	_ =	shalt  }
0x78: {  	_ =	shalt  }
0x79: {  	_ =	shalt  }
0x7a: {  	_ =	shalt  }
0x7b: {  	_ =	shalt  }
0x7c: {  	_ =	shalt  }
0x7d: {  	_ =	shalt  }
0x7e: {  	_ =	shalt  }
0x7f: {  	_ =	shalt  }
0x80: {  	_ =	shalt  }
0x81: {  	_ =	shalt  }
0x82: {  	_ =	shalt  }
0x83: {  	_ =	shalt  }
0x84: {  	_ =	shalt  }
0x85: {  	_ =	shalt  }
0x86: {  	_ =	shalt  }
0x87: {  	_ =	shalt  }
.Lfunc_end0:
.L_simem_size_0:
called_computation.2_lowered:
.L_overlay_start_0:
0x88: {  	s2 =	sld [smem:$0x3FD9]  }
0x89: {  	s3 =	sld [smem:$0x3FFE];
	_ =	sdelay $0x1  }
0x8a: {  	s1 =	srdreg.scid  }
0x8b: {  	s0 =	sand.u32 $0x1, s1  }
0x8c: {  	s17 =	sshll.u32 s0, $0xA;
	s2 =	sadd.s32 s3, s2  }
0x8d: {  	s2 =	sadd.s32 s2, s17  }
0x8e: {  	[smem:$0x3FC2] =	sst s2  }
0x8f: {  	_ = 	snop  }
0x90: {  	s2 =	sld [smem:$0x3FD0];
	(tm) =	ssettm $0x1  }
0x91: {  	s18 =	sld [smem:$0x3FFB];
	_ =	sdelay $0x3  }
0x92: {  	_ =	strace s18  }
0x93: {  	s3 =	sld [smem:$0x3FFC];
	_ =	sdelay $0x3  }
0x94: {  	_ =	strace s3  }
0x95: {  	s3 =	sld [smem:$0x3FFD];
	_ =	sdelay $0x3  }
0x96: {  	_ =	strace s3  }
0x97: {  	_ =	strace $0x8FFFFFFF  }
0x98: {  	s19 =	sld [smem:$0x3FDB];
	_ =	sdelay $0x1  }
0x99: {  	s4 =	simm.s32 $_scs_section_size  }
0x9a: {  	s5 =	simm.s32 $_size__tile_overlayer_lowered;
	s6 =	simm.s32 $_tile_overlayer_lowered  }
0x9b: {  	s22 =	simm.s32 $0x1BFF;
	s21 =	sshll.u32 s6, $0x1;
	s3 =	sadd.s32 s4, s19  }
0x9c: {  	s7 =	simm.s32 $0x0;
	s20 =	sshll.u32 s5, $0x1;
	s5 =	sadd.s32 s21, s3  }
0x9d: {  	[timem:s7], [sflag:s22] =	dma.local [hbm:s5], s20  }
0x9e: {  	_ =	swait.ge [sflag:s22], s20  }
0x9f: {  	s4 =	ssub.s32 $0x0, s20;
	[sflag:s22] =	ssyncset.done $0x0  }
0xa0: {  	[sflag:s22] =	ssyncadd.s32 s4;
	_ =	sdelay $0x1  }
0xa1: {  	s23 =	simm.s32 $0x1B8B  }
0xa2: {  	_ =	swait.ge [sflag:s23], $0x1  }
0xa3: {  	[sflag:s23] =	ssyncset.done $0x0  }
0xa4: {  	s25 =	simm.s32 $0x1B8E;
	s24 =	sld [smem:$0x3FFE];
	[sflag:s23] =	ssyncadd.s32 $0xFFFFFFFF  }
0xa5: {  	s26 =	simm.s32 $execute0_lowered;
	[smem:$0x3FD2] =	sst s25  }
0xa6: {  	s5 =	sshll.u32 s26, $0x1;
	_ =	strace $0x8000004C;
	[dreg:$0x1] =	wrdreg $0xFFFFFFFF  }
0xa7: {  	s28 =	simm.s32 $_size_execute0_lowered;
	s3 =	sadd.s32 s3, s5;
	[dreg:$0x0] =	wrdreg $0x0  }
0xa8: {  	s5 =	sshll.u32 s28, $0x1;
	[dreg:$0x2] =	wrdreg s3  }
0xa9: {  	[dreg:$0x3] =	wrdreg s5  }
0xaa: {  	[dreg:$0x4] =	wrdreg $0xC0  }
0xab: {  	_ =	task [dreg:s7], $0x5FFFF  }
0xac: {  	[dreg:$0x1] =	wrdreg $0xFFFFFFFF  }
0xad: {  	[dreg:$0x0] =	wrdreg $0x60  }
0xae: {  	[dreg:$0x2] =	wrdreg s24  }
0xaf: {  	[dreg:$0x3] =	wrdreg s2  }
0xb0: {  	[dreg:$0x4] =	wrdreg $0x90000  }
0xb1: {  	[dreg:$0x5] =	wrdreg $0x9  }
0xb2: {  	_ =	task.clear_ibuf [dreg:s7], $0x6FFFF;
	_ =	strace $0x9000004C  }
0xb3: {  	s29 =	simm.s32 $0x9;
	_ =	strace $0x8000004E  }
0xb4: {  	_ =	swait.ge [sflag:s29], $0x1  }
0xb5: {  	[sflag:s29] =	ssyncadd.s32 $0xFFFFFFFF  }
0xb6: {  	_ =	strace $0x9000004E  }
0xb7: {  	_ =	sfence  }
0xb8: {  	s30 =	sld [smem:$0x0];
	_ =	sdelay $0x2  }
0xb9: {  	s31 =	sshll.u32 s1, $0xD;
	s1 =	sshrl.u32 s1, $0x2  }
0xba: {  	s3 =	sand.u32 $0x4000, s31;
	s1 =	sadd.s32 s1, s30  }
0xbb: {  	s0 =	sor.u32 s3, s0;
	s1 =	sshll.u32 s1, $0x11  }
0xbc: {  	s0 =	sor.u32 s1, s0  }
0xbd: {  	s0 =	sadd.s32 $0x8F2B, s0  }
0xbe: {  	[sflag:s0] =	ssyncadd.remote.s32 $0x1  }
0xbf: {  	_ =	sfence.sel $0xFFFF  }
0xc0: {  	[dreg:$0x0] =	wrdreg $0xFFFFFFFF;
	(pc) =	sbr.abs _section_cstart, $3  }
0xc1: {  	[dreg:$0x1] =	wrdreg $0xFFFFFFFF  }
0xc2: {  	_ =	task.clear_ibuf [dreg:s7], $0x2FFFF;
	_ =	strace $0x9FFFFFFF  }
0xc3: {  	(tm) =	ssettm $0x7FFFFFFF  }
tec
execute0_lowered:
.L_overlay_start_1:
0x0: {  	(tag) =	ssettag $0x1  }
0x1: {  	s8 =	rddreg [dreg:$0x0]  }
0x2: {  	s2 =	rddreg [dreg:$0x1]  }
0x3: {  	s3 =	rddreg [dreg:$0x2]  }
0x4: {  	s0 =	rddreg [dreg:$0x3];
	s5 =	srdreg.scid  }
0x5: {  	s1 =	stileid.u32;
	s4 =	simm.s32 $0x0;
	s17 =	simm.s32 $0x2800  }
0x6: {  	s20 =	simm.s32 $0x80;
	s21 =	simm.s32 $0x5000;
	s22 =	simm.s32 $0x1  }
0x7: {  	s23 =	simm.s32 $0x0;
	s9 =	sand.u32 $0x1, s5;
	s29 =	sshll.u32 s1, $0x1  }
0x8: {  	[smem:$0x7FF] =	sst s4;
	s11 =	smul.u32 $0x14000, s1;
	s6 =	sadd.s32 $0x106600, s8  }
0x9: {  	s7 =	sadd.s32 $0xDE600, s8;
	s14 =	smul.u32 $0x50000, s1;
	s18 =	sshll.u32 s1, $0x6  }
0xa: {  	s5 =	sor.u32 s9, s29;
	_ =	strace $0x8000004D;
	s12 =	smul.u32 $0x500000, s9  }
0xb: {  	s9 =	ssub.s32 $0x2, s9;
	s18 =	sor.u32 $0x1C02, s18;
	s10 =	smul.u32 $0x500, s5  }
0xc: {  	s5 =	sadd.s32 $0x12E600, s8;
	s13 =	sshrl.u32 s11, $0x3;
	s30 =	sshrl.u32 s9, $0x1  }
0xd: {  	s31 =	sshrl.u32 s14, $0x2;
	s13 =	sadd.s32 s13, s8;
	s11 =	sadd.s32 s11, s12  }
0xe: {  	s16 =	ssub.s32 s9, s30;
	s10 =	sadd.s32 s10, s8;
	s11 =	sshrl.u32 s11, $0x3  }
0xf: {  	s19 =	sadd.s32 s31, s3;
	s15 =	sadd.s32 s11, s8;
	s8 =	sadd.s32 $0x34600, s10  }
0x10: {  	s9 =	sadd.s32 $0x1E00, s10;
	s10 =	sadd.s32 $0xC600, s13;
	s11 =	sadd.s32 $0x156600, s15  }
0x11: {  	s19 =	sshrl.u32 s19, $0x3;
	s12 =	sadd.s32 $0x17E600, s15;
	s13 =	sadd.s32 $0x1A6600, s15  }
0x12: {  	s14 =	sadd.s32 $0x1CE600, s15;
	s15 =	smax.u32 s16, $0x1;
	s16 =	simm.s32 $0x2  }
.LBB2_1:
0x13: {  	[tilespmem:s4], [sflag:$0x2] =	stream.linear.gather [hbm4b:s8+s4], $0x2780, $0x38;
	[tilespmem:$0x1D000] =	vst v63  }
0x14: {  	_ =	swait.ge [sflag:s16], $0x2780  }
0x15: {  	[sflag:s16] =	ssyncset.done $0x0  }
0x16: {  	[sflag:s16] =	ssyncadd.s32 $0xFFFFD880  }
0x17: {  	[tilespmem:s17], [sflag:$0x2] =	stream.linear.gather [hbm4b:s9+s4], $0x2780, $0x38;
	[tilespmem:$0x1D000] =	vst v63  }
0x18: {  	_ =	swait.ge [sflag:s16], $0x2780  }
0x19: {  	[sflag:s16] =	ssyncset.done $0x0  }
0x1a: {  	[sflag:s16] =	ssyncadd.s32 $0xFFFFD880  }
0x1b: {  	[spmem:s19], [sflag:s18] =	dma.local [hbm:s10], $0x2800  }
0x1c: {  	_ =	swait.ge [sflag:s16], $0x2800  }
0x1d: {  	[sflag:s16] =	ssyncset.done $0x0  }
0x1e: {  	[sflag:s16] =	ssyncadd.s32 $0xFFFFD800  }
0x1f: {  	s24 =	simm.s32 $0x0;
	[bflag:$0x0] =	sbarrier.arrive $0xFFFF  }
0x20: {  	[tilespmem:s21], [sflag:$0x1] =	stream.indirect.gather [hbm4b:s5+s20], $0x80, s24, s20, $0xb8;
	[tilespmem:$0x1D000] =	vst v63  }
0x21: {  	_ =	swait.ge [sflag:s22], $0x4000  }
0x22: {  	[sflag:s22] =	ssyncset.done $0x0  }
0x23: {  	s31 =	simm.s32 $0x2800;
	[sflag:s22] =	ssyncadd.s32 $0xFFFFC000  }
0x24: {  	[spmem:s3] =	stream.indirect.scatter.add.f32 [tilespmem:s21], [sflag:$0x2], $0x80, s31, s20, $0xb8;
	[tilespmem:$0x1D000] =	vst v63  }
0x25: {  	_ =	swait.ge [sflag:s16], $0x4000  }
0x26: {  	s25 =	simm.s32 $0x400;
	s24 =	simm.s32 $0x200;
	[sflag:s16] =	ssyncset.done $0x0  }
.LBB2_2:
0x27: {  	s26 =	sshra.s32 s24, $0x2  }
0x28: {  	[sflag:s16] =	ssyncadd.s32 $0xFFFFC000;
	s24 =	smov.u32 s25;
	s28 =	sadd.s32 $0x200, s25  }
0x29: {  	[tilespmem:s21], [sflag:$0x1] =	stream.indirect.gather [hbm4b:s5+s20], $0x80, s26, s20, $0xb8;
	[tilespmem:$0x1D000] =	vst v63  }
0x2a: {  	p0 =	sne.s32 s25, $0x9C00;
	_ =	swait.ge [sflag:s22], $0x4000  }
.Ltmp0:
0x2b: {  	[sflag:s22] =	ssyncset.done $0x0;
	(pc) =	sbr.rel @p0 .LBB2_2-.Ltmp0, $4  }
0x2c: {  	s25 =	sadd.s32 $0x2800, s26;
	[sflag:s22] =	ssyncadd.s32 $0xFFFFC000  }
0x2d: {  	[spmem:s3] =	stream.indirect.scatter.add.f32 [tilespmem:s21], [sflag:$0x2], $0x80, s25, s20, $0xb8;
	[tilespmem:$0x1D000] =	vst v63  }
0x2e: {  	_ =	swait.ge [sflag:s16], $0x4000  }
0x2f: {  	s25 =	smov.u32 s28;
	[sflag:s16] =	ssyncset.done $0x0  }
0x30: {  	s24 =	sshra.s32 s24, $0x2;
	[sflag:s16] =	ssyncadd.s32 $0xFFFFC000  }
0x31: {  	[tilespmem:s21], [sflag:$0x1] =	stream.indirect.gather [hbm4b:s5+s20], $0x80, s24, s20, $0xb8;
	[tilespmem:$0x1D000] =	vst v63  }
0x32: {  	_ =	swait.ge [sflag:s22], $0x4000  }
0x33: {  	[sflag:s22] =	ssyncset.done $0x0  }
0x34: {  	s24 =	sadd.s32 $0x2800, s24;
	[sflag:s22] =	ssyncadd.s32 $0xFFFFC000  }
0x35: {  	[spmem:s3] =	stream.indirect.scatter.add.f32 [tilespmem:s21], [sflag:$0x2], $0x80, s24, s20, $0xb8;
	[tilespmem:$0x1D000] =	vst v63  }
0x36: {  	_ =	swait.ge [sflag:s16], $0x4000  }
0x37: {  	[sflag:s16] =	ssyncset.done $0x0  }
0x38: {  	[sflag:s16] =	ssyncadd.s32 $0xFFFFC000  }
0x39: {  	[bflag:$0x0] =	sbarrier.arrive $0xFFFF  }
0x3a: {  	[hbm:s11], [sflag:s18] =	dma.local [spmem:s19], $0x2800  }
0x3b: {  	_ =	swait.ge [sflag:s16], $0x2800  }
0x3c: {  	[sflag:s16] =	ssyncset.done $0x0  }
0x3d: {  	[sflag:s16] =	ssyncadd.s32 $0xFFFFD800  }
0x3e: {  	[spmem:s19], [sflag:s18] =	dma.local [hbm:s10], $0x2800  }
0x3f: {  	_ =	swait.ge [sflag:s16], $0x2800  }
0x40: {  	[sflag:s16] =	ssyncset.done $0x0  }
0x41: {  	[sflag:s16] =	ssyncadd.s32 $0xFFFFD800  }
0x42: {  	s30 =	simm.s32 $0x0;
	[bflag:$0x0] =	sbarrier.arrive $0xFFFF  }
0x43: {  	[tilespmem:s21], [sflag:$0x1] =	stream.indirect.gather [hbm4b:s6+s20], $0x80, s30, s20, $0xb8;
	[tilespmem:$0x1D000] =	vst v63  }
0x44: {  	_ =	swait.ge [sflag:s22], $0x4000  }
0x45: {  	[sflag:s22] =	ssyncset.done $0x0  }
0x46: {  	s31 =	simm.s32 $0x2800;
	[sflag:s22] =	ssyncadd.s32 $0xFFFFC000  }
0x47: {  	[spmem:s3] =	stream.indirect.scatter.add.f32 [tilespmem:s21], [sflag:$0x2], $0x80, s31, s20, $0xb8;
	[tilespmem:$0x1D000] =	vst v63  }
0x48: {  	_ =	swait.ge [sflag:s16], $0x4000  }
0x49: {  	s25 =	simm.s32 $0x400;
	s24 =	simm.s32 $0x200;
	[sflag:s16] =	ssyncset.done $0x0  }
.LBB2_4:
0x4a: {  	s26 =	sshra.s32 s24, $0x2  }
0x4b: {  	[sflag:s16] =	ssyncadd.s32 $0xFFFFC000;
	s24 =	smov.u32 s25;
	s28 =	sadd.s32 $0x200, s25  }
0x4c: {  	[tilespmem:s21], [sflag:$0x1] =	stream.indirect.gather [hbm4b:s6+s20], $0x80, s26, s20, $0xb8;
	[tilespmem:$0x1D000] =	vst v63  }
0x4d: {  	p0 =	sne.s32 s25, $0x9C00;
	_ =	swait.ge [sflag:s22], $0x4000  }
.Ltmp1:
0x4e: {  	[sflag:s22] =	ssyncset.done $0x0;
	(pc) =	sbr.rel @p0 .LBB2_4-.Ltmp1, $4  }
0x4f: {  	s25 =	sadd.s32 $0x2800, s26;
	[sflag:s22] =	ssyncadd.s32 $0xFFFFC000  }
0x50: {  	[spmem:s3] =	stream.indirect.scatter.add.f32 [tilespmem:s21], [sflag:$0x2], $0x80, s25, s20, $0xb8;
	[tilespmem:$0x1D000] =	vst v63  }
0x51: {  	_ =	swait.ge [sflag:s16], $0x4000  }
0x52: {  	s25 =	smov.u32 s28;
	[sflag:s16] =	ssyncset.done $0x0  }
0x53: {  	s24 =	sshra.s32 s24, $0x2;
	[sflag:s16] =	ssyncadd.s32 $0xFFFFC000  }
0x54: {  	[tilespmem:s21], [sflag:$0x1] =	stream.indirect.gather [hbm4b:s6+s20], $0x80, s24, s20, $0xb8;
	[tilespmem:$0x1D000] =	vst v63  }
0x55: {  	_ =	swait.ge [sflag:s22], $0x4000  }
0x56: {  	[sflag:s22] =	ssyncset.done $0x0  }
0x57: {  	s24 =	sadd.s32 $0x2800, s24;
	[sflag:s22] =	ssyncadd.s32 $0xFFFFC000  }
0x58: {  	[spmem:s3] =	stream.indirect.scatter.add.f32 [tilespmem:s21], [sflag:$0x2], $0x80, s24, s20, $0xb8;
	[tilespmem:$0x1D000] =	vst v63  }
0x59: {  	_ =	swait.ge [sflag:s16], $0x4000  }
0x5a: {  	[sflag:s16] =	ssyncset.done $0x0  }
0x5b: {  	[sflag:s16] =	ssyncadd.s32 $0xFFFFC000  }
0x5c: {  	[bflag:$0x0] =	sbarrier.arrive $0xFFFF  }
0x5d: {  	[hbm:s12], [sflag:s18] =	dma.local [spmem:s19], $0x2800  }
0x5e: {  	_ =	swait.ge [sflag:s16], $0x2800  }
0x5f: {  	[sflag:s16] =	ssyncset.done $0x0  }
0x60: {  	[sflag:s16] =	ssyncadd.s32 $0xFFFFD800  }
0x61: {  	[spmem:s19], [sflag:s18] =	dma.local [hbm:s10], $0x2800  }
0x62: {  	_ =	swait.ge [sflag:s16], $0x2800  }
0x63: {  	[sflag:s16] =	ssyncset.done $0x0  }
0x64: {  	[sflag:s16] =	ssyncadd.s32 $0xFFFFD800  }
0x65: {  	s30 =	simm.s32 $0x0;
	[bflag:$0x0] =	sbarrier.arrive $0xFFFF  }
0x66: {  	[tilespmem:s21], [sflag:$0x1] =	stream.indirect.gather [hbm4b:s7+s20], $0x80, s30, s20, $0xb8;
	[tilespmem:$0x1D000] =	vst v63  }
0x67: {  	_ =	swait.ge [sflag:s22], $0x4000  }
0x68: {  	[sflag:s22] =	ssyncset.done $0x0  }
0x69: {  	s31 =	simm.s32 $0x2800;
	[sflag:s22] =	ssyncadd.s32 $0xFFFFC000  }
0x6a: {  	[spmem:s3] =	stream.indirect.scatter.add.f32 [tilespmem:s21], [sflag:$0x2], $0x80, s31, s20, $0xb8;
	[tilespmem:$0x1D000] =	vst v63  }
0x6b: {  	_ =	swait.ge [sflag:s16], $0x4000  }
0x6c: {  	s25 =	simm.s32 $0x400;
	s24 =	simm.s32 $0x200;
	[sflag:s16] =	ssyncset.done $0x0  }
.LBB2_6:
0x6d: {  	s26 =	sshra.s32 s24, $0x2  }
0x6e: {  	[sflag:s16] =	ssyncadd.s32 $0xFFFFC000;
	s24 =	smov.u32 s25;
	s28 =	sadd.s32 $0x200, s25  }
0x6f: {  	[tilespmem:s21], [sflag:$0x1] =	stream.indirect.gather [hbm4b:s7+s20], $0x80, s26, s20, $0xb8;
	[tilespmem:$0x1D000] =	vst v63  }
0x70: {  	p0 =	sne.s32 s25, $0x9C00;
	_ =	swait.ge [sflag:s22], $0x4000  }
.Ltmp2:
0x71: {  	[sflag:s22] =	ssyncset.done $0x0;
	(pc) =	sbr.rel @p0 .LBB2_6-.Ltmp2, $4  }
0x72: {  	s25 =	sadd.s32 $0x2800, s26;
	[sflag:s22] =	ssyncadd.s32 $0xFFFFC000  }
0x73: {  	[spmem:s3] =	stream.indirect.scatter.add.f32 [tilespmem:s21], [sflag:$0x2], $0x80, s25, s20, $0xb8;
	[tilespmem:$0x1D000] =	vst v63  }
0x74: {  	_ =	swait.ge [sflag:s16], $0x4000  }
0x75: {  	s25 =	smov.u32 s28;
	[sflag:s16] =	ssyncset.done $0x0  }
0x76: {  	s24 =	sshra.s32 s24, $0x2;
	[sflag:s16] =	ssyncadd.s32 $0xFFFFC000  }
0x77: {  	[tilespmem:s21], [sflag:$0x1] =	stream.indirect.gather [hbm4b:s7+s20], $0x80, s24, s20, $0xb8;
	[tilespmem:$0x1D000] =	vst v63  }
0x78: {  	_ =	swait.ge [sflag:s22], $0x4000  }
0x79: {  	[sflag:s22] =	ssyncset.done $0x0  }
0x7a: {  	s24 =	sadd.s32 $0x2800, s24;
	[sflag:s22] =	ssyncadd.s32 $0xFFFFC000  }
0x7b: {  	[spmem:s3] =	stream.indirect.scatter.add.f32 [tilespmem:s21], [sflag:$0x2], $0x80, s24, s20, $0xb8;
	[tilespmem:$0x1D000] =	vst v63  }
0x7c: {  	_ =	swait.ge [sflag:s16], $0x4000  }
0x7d: {  	[sflag:s16] =	ssyncset.done $0x0  }
0x7e: {  	[sflag:s16] =	ssyncadd.s32 $0xFFFFC000  }
0x7f: {  	[bflag:$0x0] =	sbarrier.arrive $0xFFFF  }
0x80: {  	[hbm:s13], [sflag:s18] =	dma.local [spmem:s19], $0x2800  }
0x81: {  	_ =	swait.ge [sflag:s16], $0x2800  }
0x82: {  	[sflag:s16] =	ssyncset.done $0x0  }
0x83: {  	[sflag:s16] =	ssyncadd.s32 $0xFFFFD800  }
0x84: {  	[spmem:s19], [sflag:s18] =	dma.local [hbm:s10], $0x2800  }
0x85: {  	_ =	swait.ge [sflag:s16], $0x2800  }
0x86: {  	[sflag:s16] =	ssyncset.done $0x0  }
0x87: {  	[sflag:s16] =	ssyncadd.s32 $0xFFFFD800  }
0x88: {  	s30 =	simm.s32 $0x0;
	[bflag:$0x0] =	sbarrier.arrive $0xFFFF  }
0x89: {  	[tilespmem:s21], [sflag:$0x1] =	stream.indirect.gather [hbm4b:s2+s20], $0x80, s30, s20, $0xb8;
	[tilespmem:$0x1D000] =	vst v63  }
0x8a: {  	_ =	swait.ge [sflag:s22], $0x4000  }
0x8b: {  	[sflag:s22] =	ssyncset.done $0x0  }
0x8c: {  	s31 =	simm.s32 $0x2800;
	[sflag:s22] =	ssyncadd.s32 $0xFFFFC000  }
0x8d: {  	[spmem:s3] =	stream.indirect.scatter.add.f32 [tilespmem:s21], [sflag:$0x2], $0x80, s31, s20, $0xb8;
	[tilespmem:$0x1D000] =	vst v63  }
0x8e: {  	_ =	swait.ge [sflag:s16], $0x4000  }
0x8f: {  	s25 =	simm.s32 $0x400;
	s24 =	simm.s32 $0x200;
	[sflag:s16] =	ssyncset.done $0x0  }
.LBB2_8:
0x90: {  	s26 =	sshra.s32 s24, $0x2  }
0x91: {  	[sflag:s16] =	ssyncadd.s32 $0xFFFFC000;
	s24 =	smov.u32 s25;
	s28 =	sadd.s32 $0x200, s25  }
0x92: {  	[tilespmem:s21], [sflag:$0x1] =	stream.indirect.gather [hbm4b:s2+s20], $0x80, s26, s20, $0xb8;
	[tilespmem:$0x1D000] =	vst v63  }
0x93: {  	p0 =	sne.s32 s25, $0x9C00;
	_ =	swait.ge [sflag:s22], $0x4000  }
.Ltmp3:
0x94: {  	[sflag:s22] =	ssyncset.done $0x0;
	(pc) =	sbr.rel @p0 .LBB2_8-.Ltmp3, $4  }
0x95: {  	s25 =	sadd.s32 $0x2800, s26;
	[sflag:s22] =	ssyncadd.s32 $0xFFFFC000  }
0x96: {  	[spmem:s3] =	stream.indirect.scatter.add.f32 [tilespmem:s21], [sflag:$0x2], $0x80, s25, s20, $0xb8;
	[tilespmem:$0x1D000] =	vst v63  }
0x97: {  	_ =	swait.ge [sflag:s16], $0x4000  }
0x98: {  	s25 =	smov.u32 s28;
	[sflag:s16] =	ssyncset.done $0x0  }
0x99: {  	s24 =	sshra.s32 s24, $0x2;
	[sflag:s16] =	ssyncadd.s32 $0xFFFFC000  }
0x9a: {  	[tilespmem:s21], [sflag:$0x1] =	stream.indirect.gather [hbm4b:s2+s20], $0x80, s24, s20, $0xb8;
	[tilespmem:$0x1D000] =	vst v63  }
0x9b: {  	_ =	swait.ge [sflag:s22], $0x4000  }
0x9c: {  	[sflag:s22] =	ssyncset.done $0x0  }
0x9d: {  	s24 =	sadd.s32 $0x2800, s24;
	[sflag:s22] =	ssyncadd.s32 $0xFFFFC000  }
0x9e: {  	[spmem:s3] =	stream.indirect.scatter.add.f32 [tilespmem:s21], [sflag:$0x2], $0x80, s24, s20, $0xb8;
	[tilespmem:$0x1D000] =	vst v63  }
0x9f: {  	_ =	swait.ge [sflag:s16], $0x4000  }
0xa0: {  	s23 =	sadd.s32 $0x1, s23;
	[sflag:s16] =	ssyncset.done $0x0  }
0xa1: {  	p0 =	sne.s32 s23, s15;
	[sflag:s16] =	ssyncadd.s32 $0xFFFFC000  }
.Ltmp4:
0xa2: {  	[bflag:$0x0] =	sbarrier.arrive $0xFFFF;
	(pc) =	sbr.rel @p0 .LBB2_1-.Ltmp4, $4  }
0xa3: {  	[hbm:s14], [sflag:s18] =	dma.local [spmem:s19], $0x2800  }
0xa4: {  	_ =	swait.ge [sflag:s16], $0x2800  }
0xa5: {  	[sflag:s16] =	ssyncset.done $0x0  }
0xa6: {  	[sflag:s16] =	ssyncadd.s32 $0xFFFFD800  }
0xa7: {  	_ =	sfence.sel $0x180000  }
0xa8: {  	[bflag:$0x0] =	sbarrier.arrive $0xFFFF  }
0xa9: {  	p0 =	sne.s32 s1, $0x0;
	_ =	strace $0x9000004D  }
0xaa: {  	s0 =	sadd.s32 @!p0 $0x100000, s0;
	[bflag:$0x2] =	sbarrier.arrive $0xFFFF  }
0xab: {  	[sflag:s0] =	ssyncadd.tile.s32 @!p0 $0x1;
	_ =	shalt  }
.Lfunc_end2:
_tile_overlayer_lowered:
.L_overlay_start_2:
0xac: {  	(tag) =	ssettag $0x2  }
0xad: {  	s0 =	rddreg [dreg:$0x0];
	s2 =	stileid.u32  }
0xae: {  	s1 =	rddreg [dreg:$0x1];
	p0 =	sne.s32 s2, $0x0  }
0xaf: {  	s3 =	rddreg [dreg:$0x2];
	[bflag:$0x3] =	sbarrier.arrive $0xFFFF;
	s2 =	simm.s32 @!p0 $0x1C02  }
0xb0: {  	[timem:s3], [sflag:s2] =	dma.local @!p0 [hbm:s0], s1  }
0xb1: {  	s0 =	simm.s32 @!p0 $0x2  }
0xb2: {  	_ =	swait.ge @!p0 [sflag:s0], s1  }
0xb3: {  	s1 =	ssub.s32 @!p0 $0x0, s1;
	[sflag:s0] =	ssyncset.done @!p0 $0x0  }
0xb4: {  	[sflag:s0] =	ssyncadd.s32 @!p0 s1  }
0xb5: {  	[bflag:$0x3] =	sbarrier.arrive $0xFFFF  }
0xb6: {  	_ =	shalt  }

// kernel: kernel.8.cloned.1.call-start
scs
__scs_entry_jumppad:
0x0: {  	(pc) =	sbr.rel $0x88, $3  }
0x1: {  	(tag) =	ssettag $0x0;
	lr =	simm.s32 $0x1  }
0x2: {  	[smem:$0x3F9B] =	sst lr;
	_ =	strace $0xD0000000  }
0x3: {  	_ = 	snop  }
0x4: {  	_ = 	snop  }
0x5: {  	_ = 	snop  }
0x6: {  	_ = 	snop  }
0x7: {  	_ = 	snop  }
__scs_overlays_trampoline_lowered:
0x8: {  	[smem:$0x3FAA] =	sst s0  }
0x9: {  	[smem:$0x3FAB] =	sst s1  }
0xa: {  	[smem:$0x3FAC] =	sst s2  }
0xb: {  	[smem:$0x3FAD] =	sst s3  }
0xc: {  	[smem:$0x3FAE] =	sst s4  }
0xd: {  	[smem:$0x3FAF] =	sst s5  }
0xe: {  	[smem:$0x3FB0] =	sst s6  }
0xf: {  	[smem:$0x3FB1] =	sst s7  }
0x10: {  	[smem:$0x3FB2] =	sst s8  }
0x11: {  	[smem:$0x3FB3] =	sst s9;
	s0 =	simm.s32 @!p0 $0x0  }
0x12: {  	s1 =	sld [smem:$0x3F99];
	s0 =	simm.s32 @p0 $0x1  }
0x13: {  	[smem:$0x3FB4] =	sst s0;
	s0 =	simm.s32 @!p1 $0x0  }
0x14: {  	s2 =	sld [smem:$0x3F98];
	s0 =	simm.s32 @p1 $0x1  }
0x15: {  	[smem:$0x3FB5] =	sst s0;
	s0 =	simm.s32 @!p2 $0x0  }
0x16: {  	s3 =	sld [smem:$0x3FDB];
	s0 =	simm.s32 @p2 $0x1  }
0x17: {  	s4 =	simm.s32 $0x1BF5;
	[smem:$0x3FB7] =	sst s0  }
0x18: {  	s0 =	sld [smem:$0x3F9A];
	_ =	swait.ge [sflag:s4], $0x0  }
0x19: {  	s7 =	sld [smem:$0x3F9B]  }
0x1a: {  	s8 =	sadd.s32 $0xFFFFE003, lr  }
0x1b: {  	s9 =	sadd.s32 $0xFFFFFEF7, lr;
	s5 =	simm.s32 $0xFFFFFFFF;
	p2 =	slt.u32 s8, $0xFFFFF086  }
0x1c: {  	p1 =	slt.u32 s9, $0xF7A;
	s5 =	simm.s32 @!p2 $0x0  }
0x1d: {  	s5 =	simm.s32 @p1 $0x1;
	p0 =	seq.s32 s7, s2  }
0x1e: {  	s7 =	smul.u32 @!p0 $0xF7A, s2;
	p2 =	seq.s32 @!p0 s5, $0x0  }
0x1f: {  	s9 =	smul.u32 $0xF7A, s1;
	s8 =	simm.s32 @!p0 $0x1BF5;
	p2 =	por !p2, p0  }
0x20: {  	[sflag:s8] =	ssyncset.s32 @!p0 $0xFFFFF086;
	s6 =	sadd.s32 @!p0 s3, s7;
	s7 =	simm.s32 @!p0 $0x108  }
0x21: {  	s3 =	sadd.s32 s3, s9;
	s6 =	sadd.s32 @!p0 $0x88, s6;
	s7 =	simm.s32 @p2 $0x1082  }
0x22: {  	[simem:s7], [sflag:s8] =	dma.local @!p0 [hbm:s6], $0xF7A  }
0x23: {  	s9 =	sor.u32 $0xD0000000, s2;
	s6 =	simm.s32 $0x108;
	_ =	swait.ge @!p0 [sflag:s8], $0x0  }
0x24: {  	s3 =	sadd.s32 $0x88, s3;
	s6 =	simm.s32 @!p1 $0x1082;
	[sflag:s4] =	ssyncset.s32 $0xFFFFF086  }
0x25: {  	[simem:s6], [sflag:s4] =	dma.local [hbm:s3], $0xF7A  }
0x26: {  	[smem:$0x3F9B] =	sst s1;
	(tag) =	ssettag s2;
	_ =	strace s9  }
0x27: {  	s1 =	sld [smem:$0x3FAB]  }
0x28: {  	s2 =	sld [smem:$0x3FAC]  }
0x29: {  	s4 =	sld [smem:$0x3FAE]  }
0x2a: {  	p0 =	seq.s32 s5, $0x0;
	s5 =	sld [smem:$0x3FAF]  }
0x2b: {  	s6 =	sld [smem:$0x3FB0]  }
0x2c: {  	s7 =	sld [smem:$0x3FB1]  }
0x2d: {  	s3 =	simm.s32 $0x108;
	s8 =	sld [smem:$0x3FB2]  }
0x2e: {  	s3 =	simm.s32 @!p0 $0x1082;
	s9 =	sld [smem:$0x3FB3]  }
0x2f: {  	lr =	sadd.s32 s0, s3;
	s0 =	sld [smem:$0x3FAA]  }
0x30: {  	s3 =	sld [smem:$0x3FAD]  }
0x31: {  	[smem:$0x3FB6] =	sst s10  }
0x32: {  	s10 =	sld [smem:$0x3FB4];
	_ =	sdelay $0x3  }
0x33: {  	p0 =	seq.s32 s10, $0x1;
	s10 =	sld [smem:$0x3FB6];
	_ =	sdelay $0x3  }
0x34: {  	[smem:$0x3FB6] =	sst s10  }
0x35: {  	s10 =	sld [smem:$0x3FB5];
	_ =	sdelay $0x3  }
0x36: {  	p1 =	seq.s32 s10, $0x1;
	s10 =	sld [smem:$0x3FB6];
	_ =	sdelay $0x3  }
0x37: {  	[smem:$0x3FB6] =	sst s10  }
0x38: {  	s10 =	sld [smem:$0x3FB7]  }
0x39: {  	_ = 	snop;
	(pc) =	sbr.ind lr, $3  }
0x3a: {  	_ = 	snop  }
0x3b: {  	_ = 	snop  }
0x3c: {  	p2 =	seq.s32 s10, $0x1;
	s10 =	sld [smem:$0x3FB6]  }
0x3d: {  	_ =	shalt  }
0x3e: {  	_ =	shalt  }
0x3f: {  	_ =	shalt  }
0x40: {  	_ =	shalt  }
0x41: {  	_ =	shalt  }
0x42: {  	_ =	shalt  }
0x43: {  	_ =	shalt  }
0x44: {  	_ =	shalt  }
0x45: {  	_ =	shalt  }
0x46: {  	_ =	shalt  }
0x47: {  	_ =	shalt  }
0x48: {  	_ =	shalt  }
0x49: {  	_ =	shalt  }
0x4a: {  	_ =	shalt  }
0x4b: {  	_ =	shalt  }
0x4c: {  	_ =	shalt  }
0x4d: {  	_ =	shalt  }
0x4e: {  	_ =	shalt  }
0x4f: {  	_ =	shalt  }
0x50: {  	_ =	shalt  }
0x51: {  	_ =	shalt  }
0x52: {  	_ =	shalt  }
0x53: {  	_ =	shalt  }
0x54: {  	_ =	shalt  }
0x55: {  	_ =	shalt  }
0x56: {  	_ =	shalt  }
0x57: {  	_ =	shalt  }
0x58: {  	_ =	shalt  }
0x59: {  	_ =	shalt  }
0x5a: {  	_ =	shalt  }
0x5b: {  	_ =	shalt  }
0x5c: {  	_ =	shalt  }
0x5d: {  	_ =	shalt  }
0x5e: {  	_ =	shalt  }
0x5f: {  	_ =	shalt  }
0x60: {  	_ =	shalt  }
0x61: {  	_ =	shalt  }
0x62: {  	_ =	shalt  }
0x63: {  	_ =	shalt  }
0x64: {  	_ =	shalt  }
0x65: {  	_ =	shalt  }
0x66: {  	_ =	shalt  }
0x67: {  	_ =	shalt  }
0x68: {  	_ =	shalt  }
0x69: {  	_ =	shalt  }
0x6a: {  	_ =	shalt  }
0x6b: {  	_ =	shalt  }
0x6c: {  	_ =	shalt  }
0x6d: {  	_ =	shalt  }
0x6e: {  	_ =	shalt  }
0x6f: {  	_ =	shalt  }
0x70: {  	_ =	shalt  }
0x71: {  	_ =	shalt  }
0x72: {  	_ =	shalt  }
0x73: {  	_ =	shalt  }
0x74: {  	_ =	shalt  }
0x75: {  	_ =	shalt  }
0x76: {  	_ =	shalt  }
0x77: {  	_ =	shalt  }
0x78: {  	_ =	shalt  }
0x79: {  	_ =	shalt  }
0x7a: {  	_ =	shalt  }
0x7b: {  	_ =	shalt  }
0x7c: {  	_ =	shalt  }
0x7d: {  	_ =	shalt  }
0x7e: {  	_ =	shalt  }
0x7f: {  	_ =	shalt  }
0x80: {  	_ =	shalt  }
0x81: {  	_ =	shalt  }
0x82: {  	_ =	shalt  }
0x83: {  	_ =	shalt  }
0x84: {  	_ =	shalt  }
0x85: {  	_ =	shalt  }
0x86: {  	_ =	shalt  }
0x87: {  	_ =	shalt  }
.Lfunc_end0:
.L_simem_size_0:
called_computation_lowered:
.L_overlay_start_0:
0x88: {  	s2 =	sld [smem:$0x3FD9]  }
0x89: {  	s3 =	sld [smem:$0x3FFE];
	_ =	sdelay $0x1  }
0x8a: {  	s1 =	srdreg.scid  }
0x8b: {  	s0 =	sand.u32 $0x1, s1  }
0x8c: {  	s17 =	sshll.u32 s0, $0xA;
	s2 =	sadd.s32 s3, s2  }
0x8d: {  	s2 =	sadd.s32 s2, s17  }
0x8e: {  	[smem:$0x3FC2] =	sst s2  }
0x8f: {  	_ = 	snop  }
0x90: {  	s2 =	sld [smem:$0x3FD0];
	(tm) =	ssettm $0x1  }
0x91: {  	s18 =	sld [smem:$0x3FFB];
	_ =	sdelay $0x3  }
0x92: {  	_ =	strace s18  }
0x93: {  	s3 =	sld [smem:$0x3FFC];
	_ =	sdelay $0x3  }
0x94: {  	_ =	strace s3  }
0x95: {  	s3 =	sld [smem:$0x3FFD];
	_ =	sdelay $0x3  }
0x96: {  	_ =	strace s3  }
0x97: {  	_ =	strace $0x8FFFFFFF  }
0x98: {  	s19 =	sld [smem:$0x3FDB];
	_ =	sdelay $0x1  }
0x99: {  	s4 =	simm.s32 $_scs_section_size  }
0x9a: {  	s5 =	simm.s32 $_size__tile_overlayer_lowered;
	s6 =	simm.s32 $_tile_overlayer_lowered  }
0x9b: {  	s22 =	simm.s32 $0x1BFF;
	s21 =	sshll.u32 s6, $0x1;
	s3 =	sadd.s32 s4, s19  }
0x9c: {  	s7 =	simm.s32 $0x0;
	s20 =	sshll.u32 s5, $0x1;
	s5 =	sadd.s32 s21, s3  }
0x9d: {  	[timem:s7], [sflag:s22] =	dma.local [hbm:s5], s20  }
0x9e: {  	_ =	swait.ge [sflag:s22], s20  }
0x9f: {  	s4 =	ssub.s32 $0x0, s20;
	[sflag:s22] =	ssyncset.done $0x0  }
0xa0: {  	[sflag:s22] =	ssyncadd.s32 s4;
	_ =	sdelay $0x1  }
0xa1: {  	s23 =	simm.s32 $0x1B8B  }
0xa2: {  	_ =	swait.ge [sflag:s23], $0x1  }
0xa3: {  	[sflag:s23] =	ssyncset.done $0x0  }
0xa4: {  	s25 =	simm.s32 $0x1B8E;
	s24 =	sld [smem:$0x3FFE];
	[sflag:s23] =	ssyncadd.s32 $0xFFFFFFFF  }
0xa5: {  	s26 =	simm.s32 $execute0_lowered;
	[smem:$0x3FD2] =	sst s25  }
0xa6: {  	s5 =	sshll.u32 s26, $0x1;
	_ =	strace $0x80000046;
	[dreg:$0x1] =	wrdreg $0xFFFFFFFF  }
0xa7: {  	s28 =	simm.s32 $_size_execute0_lowered;
	s3 =	sadd.s32 s3, s5;
	[dreg:$0x0] =	wrdreg $0x0  }
0xa8: {  	s5 =	sshll.u32 s28, $0x1;
	[dreg:$0x2] =	wrdreg s3  }
0xa9: {  	[dreg:$0x3] =	wrdreg s5  }
0xaa: {  	[dreg:$0x4] =	wrdreg $0xC0  }
0xab: {  	_ =	task [dreg:s7], $0x5FFFF  }
0xac: {  	[dreg:$0x1] =	wrdreg $0xFFFFFFFF  }
0xad: {  	[dreg:$0x0] =	wrdreg $0x60  }
0xae: {  	[dreg:$0x2] =	wrdreg s24  }
0xaf: {  	[dreg:$0x3] =	wrdreg s2  }
0xb0: {  	[dreg:$0x4] =	wrdreg $0x68000  }
0xb1: {  	[dreg:$0x5] =	wrdreg $0x9  }
0xb2: {  	_ =	task.clear_ibuf [dreg:s7], $0x6FFFF;
	_ =	strace $0x90000046  }
0xb3: {  	s29 =	simm.s32 $0x9;
	_ =	strace $0x80000048  }
0xb4: {  	_ =	swait.ge [sflag:s29], $0x1  }
0xb5: {  	[sflag:s29] =	ssyncadd.s32 $0xFFFFFFFF  }
0xb6: {  	_ =	strace $0x90000048  }
0xb7: {  	_ =	sfence  }
0xb8: {  	s30 =	sld [smem:$0x0];
	_ =	sdelay $0x2  }
0xb9: {  	s31 =	sshll.u32 s1, $0xD;
	s1 =	sshrl.u32 s1, $0x2  }
0xba: {  	s3 =	sand.u32 $0x4000, s31;
	s1 =	sadd.s32 s1, s30  }
0xbb: {  	s0 =	sor.u32 s3, s0;
	s1 =	sshll.u32 s1, $0x11  }
0xbc: {  	s0 =	sor.u32 s1, s0  }
0xbd: {  	s0 =	sadd.s32 $0x8F2B, s0  }
0xbe: {  	[sflag:s0] =	ssyncadd.remote.s32 $0x1  }
0xbf: {  	_ =	sfence.sel $0xFFFF  }
0xc0: {  	[dreg:$0x0] =	wrdreg $0xFFFFFFFF;
	(pc) =	sbr.abs _section_cstart, $3  }
0xc1: {  	[dreg:$0x1] =	wrdreg $0xFFFFFFFF  }
0xc2: {  	_ =	task.clear_ibuf [dreg:s7], $0x2FFFF;
	_ =	strace $0x9FFFFFFF  }
0xc3: {  	(tm) =	ssettm $0x7FFFFFFF  }
tec
execute0_lowered:
.L_overlay_start_1:
0x0: {  	(tag) =	ssettag $0x1  }
0x1: {  	s5 =	rddreg [dreg:$0x0]  }
0x2: {  	s8 =	rddreg [dreg:$0x1];
	s1 =	srdreg.scid  }
0x3: {  	s0 =	stileid.u32;
	s2 =	rddreg [dreg:$0x2]  }
0x4: {  	s3 =	simm.s32 $0x0;
	s13 =	simm.s32 $0x80;
	s14 =	simm.s32 $0x0  }
0x5: {  	s6 =	sand.u32 $0x1, s1;
	s1 =	rddreg [dreg:$0x3];
	s7 =	smul.u32 $0x14000, s0  }
0x6: {  	s4 =	sshll.u32 s0, $0x1;
	[smem:$0x7FF] =	sst s3;
	s10 =	smul.u32 $0x50000, s0  }
0x7: {  	s4 =	sor.u32 s6, s4;
	s12 =	ssub.s32 $0x2, s6;
	s6 =	smul.u32 $0x140000, s6  }
0x8: {  	s30 =	sshll.u32 s0, $0x6;
	_ =	strace $0x80000047;
	s4 =	smul.u32 $0x500, s4  }
0x9: {  	s11 =	sshrl.u32 s7, $0x3;
	s29 =	sshrl.u32 s12, $0x1;
	s10 =	sshrl.u32 s10, $0x2  }
0xa: {  	s10 =	sadd.s32 s10, s2;
	s6 =	sadd.s32 s7, s6;
	s9 =	sadd.s32 s4, s5  }
0xb: {  	s4 =	sadd.s32 $0xBE00, s5;
	s5 =	sadd.s32 s11, s5;
	s11 =	ssub.s32 s12, s29  }
0xc: {  	s31 =	sshrl.u32 s6, $0x3;
	s6 =	sor.u32 $0x1C01, s30;
	s10 =	sshrl.u32 s10, $0x3  }
0xd: {  	s12 =	simm.s32 $0x2800;
	s5 =	sadd.s32 $0xC600, s5;
	s7 =	sadd.s32 $0x1E00, s9  }
0xe: {  	s8 =	sadd.s32 s8, s31;
	s9 =	smax.u32 s11, $0x1;
	s11 =	simm.s32 $0x1  }
.LBB2_1:
0xf: {  	[spmem:s10], [sflag:s6] =	dma.local [hbm:s5], $0x2800  }
0x10: {  	_ =	swait.ge [sflag:s11], $0x2800  }
0x11: {  	[sflag:s11] =	ssyncset.done $0x0  }
0x12: {  	[sflag:s11] =	ssyncadd.s32 $0xFFFFD800  }
0x13: {  	[tilespmem:s3], [sflag:$0x1] =	stream.linear.gather [hbm4b:s7+s3], $0x2780, $0x38;
	[tilespmem:$0x1A800] =	vst v63  }
0x14: {  	_ =	swait.ge [sflag:s11], $0x2780  }
0x15: {  	[sflag:s11] =	ssyncset.done $0x0  }
0x16: {  	[sflag:s11] =	ssyncadd.s32 $0xFFFFD880  }
0x17: {  	[tilespmem:s12], [sflag:$0x1] =	stream.linear.gather [hbm4b:s4+s3], $0x4000, $0x38;
	[tilespmem:$0x1A800] =	vst v63  }
0x18: {  	_ =	swait.ge [sflag:s11], $0x4000  }
0x19: {  	[sflag:s11] =	ssyncset.done $0x0  }
0x1a: {  	[sflag:s11] =	ssyncadd.s32 $0xFFFFC000  }
0x1b: {  	s15 =	simm.s32 $0x0;
	[bflag:$0x0] =	sbarrier.arrive $0xFFFF  }
0x1c: {  	[spmem:s2] =	stream.indirect.scatter.add.f32 [tilespmem:s12], [sflag:$0x1], $0x80, s15, s13, $0xb8;
	[tilespmem:$0x1A800] =	vst v63  }
0x1d: {  	_ =	swait.ge [sflag:s11], $0x4000  }
0x1e: {  	s15 =	simm.s32 $0x200;
	[sflag:s11] =	ssyncset.done $0x0  }
.LBB2_2:
0x1f: {  	s16 =	sshra.s32 s15, $0x2;
	[sflag:s11] =	ssyncadd.s32 $0xFFFFC000;
	p0 =	sne.s32 s15, $0x9C00  }
0x20: {  	[spmem:s2] =	stream.indirect.scatter.add.f32 [tilespmem:s12], [sflag:$0x1], $0x80, s16, s13, $0xb8;
	[tilespmem:$0x1A800] =	vst v63  }
.Ltmp0:
0x21: {  	_ = 	snop;
	(pc) =	sbr.rel @p0 .LBB2_2-.Ltmp0, $4  }
0x22: {  	_ = 	snop  }
0x23: {  	s15 =	sadd.s32 $0x200, s15  }
0x24: {  	_ =	swait.ge [sflag:s11], $0x4000  }
0x25: {  	[sflag:s11] =	ssyncset.done $0x0  }
0x26: {  	s14 =	sadd.s32 $0x1, s14  }
0x27: {  	[sflag:s11] =	ssyncadd.s32 $0xFFFFC000;
	p0 =	sne.s32 s14, s9  }
.Ltmp1:
0x28: {  	[bflag:$0x0] =	sbarrier.arrive $0xFFFF;
	(pc) =	sbr.rel @p0 .LBB2_1-.Ltmp1, $4  }
0x29: {  	[hbm:s8], [sflag:s6] =	dma.local [spmem:s10], $0x2800  }
0x2a: {  	_ =	swait.ge [sflag:s11], $0x2800  }
0x2b: {  	[sflag:s11] =	ssyncset.done $0x0  }
0x2c: {  	[sflag:s11] =	ssyncadd.s32 $0xFFFFD800  }
0x2d: {  	_ =	sfence.sel $0x180000  }
0x2e: {  	[bflag:$0x0] =	sbarrier.arrive $0xFFFF  }
0x2f: {  	p0 =	sne.s32 s0, $0x0;
	_ =	strace $0x90000047  }
0x30: {  	s0 =	sadd.s32 @!p0 $0x100000, s1;
	[bflag:$0x2] =	sbarrier.arrive $0xFFFF  }
0x31: {  	[sflag:s0] =	ssyncadd.tile.s32 @!p0 $0x1;
	_ =	shalt  }
.Lfunc_end2:
_tile_overlayer_lowered:
.L_overlay_start_2:
0x32: {  	(tag) =	ssettag $0x2  }
0x33: {  	s0 =	rddreg [dreg:$0x0];
	s2 =	stileid.u32  }
0x34: {  	s1 =	rddreg [dreg:$0x1];
	p0 =	sne.s32 s2, $0x0  }
0x35: {  	s3 =	rddreg [dreg:$0x2];
	[bflag:$0x3] =	sbarrier.arrive $0xFFFF;
	s2 =	simm.s32 @!p0 $0x1C01  }
0x36: {  	[timem:s3], [sflag:s2] =	dma.local @!p0 [hbm:s0], s1  }
0x37: {  	s0 =	simm.s32 @!p0 $0x1  }
0x38: {  	_ =	swait.ge @!p0 [sflag:s0], s1  }
0x39: {  	s1 =	ssub.s32 @!p0 $0x0, s1;
	[sflag:s0] =	ssyncset.done @!p0 $0x0  }
0x3a: {  	[sflag:s0] =	ssyncadd.s32 @!p0 s1  }
0x3b: {  	[bflag:$0x3] =	sbarrier.arrive $0xFFFF  }
0x3c: {  	_ =	shalt  }

</sc_bundles>
